<compile_context>
chip_gen: v7x
topology: tpu7x:2x2x1
jax: 0.10.2.dev20260603
libtpu: 0.0.44.dev20260713+nightly
codegen_flags: <defaults>
</compile_context>

<pallas_src>
import jax
import jax.numpy as jnp
from jax import lax
from jax.experimental import pallas as pl
from jax.experimental.pallas import tpu as pltpu
from jax.experimental.pallas import tpu_sc as plsc

B = 4096
T = 200
L = 50
LH = 25
D = 64

NW = 32
NL = B // NW
NG = NL // 16
DC = 2
NDCH = D // DC
LANES = 16


def _body(pt_hbm, it_hbm, ot_hbm, idx_v, slab_v, out_v, gsem, ssem):
    wid = lax.axis_index("s") * 2 + lax.axis_index("c")
    b0 = wid * NL

    TH = T // 2

    def fire(c, s):
        pltpu.async_copy(
            pt_hbm.at[pl.ds(0, TH), pl.ds(c * DC, DC), pl.ds(b0, NL)],
            slab_v.at[s, pl.ds(0, TH)], gsem.at[s])
        pltpu.async_copy(
            pt_hbm.at[pl.ds(TH, TH), pl.ds(c * DC, DC), pl.ds(b0, NL)],
            slab_v.at[s, pl.ds(TH, TH)], gsem.at[s])

    fire(0, 0)
    fire(1, 1)
    pltpu.sync_copy(it_hbm.at[:, pl.ds(b0, NL)], idx_v)

    iota = lax.iota(jnp.int32, LANES)
    lanes = [jnp.full((LANES,), g * LANES, jnp.int32) + iota for g in range(NG)]
    zero = jnp.zeros((LANES,), jnp.int32)
    tstride = jnp.full((LANES,), DC * NL, jnp.int32)
    dstride = jnp.full((LANES,), NL, jnp.int32)

    @plsc.parallel_loop(0, L, unroll=2)
    def _pre(l):
        for g in range(NG):
            sl = pl.ds(g * LANES, LANES)
            idx_v[l, sl] = idx_v[l, sl] * tstride + lanes[g]

    def chunk(c, s):
        pltpu.make_async_copy(
            pt_hbm.at[:, pl.ds(0, DC), pl.ds(b0, NL)],
            slab_v.at[s], gsem.at[s]).wait()

        @pl.when(c > 0)
        def _wait_out_free():
            pltpu.make_async_copy(
                out_v, ot_hbm.at[:, pl.ds(0, DC), pl.ds(b0, NL)],
                ssem).wait()

        @plsc.parallel_loop(0, L, unroll=4)
        def per_l(l):
            for g in range(NG):
                sl = pl.ds(g * LANES, LANES)
                sidx = idx_v[l, sl]
                for d in range(DC):
                    v = plsc.load_gather(
                        slab_v.at[s],
                        [zero, zero, sidx if d == 0 else sidx + d * dstride])
                    out_v[l, d, sl] = v
        pltpu.async_copy(out_v, ot_hbm.at[:, pl.ds(c * DC, DC), pl.ds(b0, NL)],
                         ssem)

        @pl.when(c + 2 < NDCH)
        def _refill():
            fire(c + 2, s)

    def group(g2, _):
        chunk(g2 * 2, 0)
        chunk(g2 * 2 + 1, 1)
        return _

    lax.fori_loop(0, NDCH // 2, group, None)
    pltpu.make_async_copy(
        out_v, ot_hbm.at[:, pl.ds(0, DC), pl.ds(b0, NL)], ssem).wait()


def kernel(params, indices):
    pt = params.transpose(1, 2, 0)
    it = indices.astype(jnp.int32).T

    mesh = plsc.VectorSubcoreMesh(core_axis_name="c", subcore_axis_name="s")
    k = pl.kernel(
        _body,
        mesh=mesh,
        out_type=jax.ShapeDtypeStruct((L, D, B), jnp.float32),
        scratch_types=[
            pltpu.VMEM((L, NL), jnp.int32),
            pltpu.VMEM((2, T, DC, NL), jnp.float32),
            pltpu.VMEM((L, DC, NL), jnp.float32),
            pltpu.SemaphoreType.DMA((2,)),
            pltpu.SemaphoreType.DMA,
        ],
        compiler_params=pltpu.CompilerParams(use_tc_tiling_on_sc=True,
                                             needs_layout_passes=False),
    )
    ot = k(pt, it)
    return ot.transpose(2, 0, 1)

# --- scband reference (transcript-rebuilt; emitter-appended) ---
"""Pipeline reference for scband-gather-layer-5987184410742 (READ-ONLY COPY).

The authoritative reference and input builder live on the scoring server;
editing this copy changes nothing except your own understanding.
"""

import jax, jax.numpy as jnp
import numpy as np

def setup_inputs(seed: int = 0):
    key = jax.random.key(seed)
    k1, k2 = jax.random.split(key)
    params = jax.random.normal(k1, (4096, 200, 64), dtype=jnp.float32)
    indices = jax.random.randint(k2, (4096, 50), 0, 200)
    return {"params": params, "indices": indices}

def reference(params, indices):
    # tf.gather(params, indices, batch_dims=1): out[b, l, :] = params[b, indices[b, l], :]
    return jnp.take_along_axis(params, indices[..., None], axis=1)

if __name__ == "__main__":
    import jax
    _d = setup_inputs()
    print(jax.jit(kernel)(*tuple(_d.values())))

</pallas_src>

<mosaic_0001>
#map = affine_map<(d0, d1) -> (0, 0, 0)>
#map1 = affine_map<(d0, d1) -> (0, 0)>
module attributes {stable_mosaic.version = 14 : i64} {
  func.func @_body(%arg0: i32, %arg1: i32, %arg2: memref<200x64x4096xf32, #tpu.memory_space<hbm>>, %arg3: memref<50x4096xi32, #tpu.memory_space<hbm>>, %arg4: memref<50x64x4096xf32, #tpu.memory_space<hbm>>, %arg5: memref<50x128xi32, #tpu.memory_space<vmem>>, %arg6: memref<2x200x2x128xf32, #tpu.memory_space<vmem>>, %arg7: memref<50x2x128xf32, #tpu.memory_space<vmem>>, %arg8: memref<2x!tpu.dma_semaphore, #tpu.memory_space<semaphore_mem>>, %arg9: memref<!tpu.dma_semaphore, #tpu.memory_space<semaphore_mem>>) attributes {dimension_semantics = [#tpu.dimension_semantics<core_parallel>, #tpu.dimension_semantics<subcore_parallel>], iteration_bounds = array<i64: 2, 16>, scalar_prefetch = 0 : i64, scratch_operands = 5 : i64, tpu.core_type = #tpu.core_type<sc_vector_subcore>, window_params = [{transform_indices = #map}, {transform_indices = #map1}, {transform_indices = #map}]} {
    %mul3A = arith.constant 2 : i32
    %mul3A_0 = arith.muli %arg1, %mul3A : i32
    %add3A = arith.addi %mul3A_0, %arg0 : i32
    %mul3A_1 = arith.constant 128 : i32
    %mul3A_2 = arith.muli %add3A, %mul3A_1 : i32
    %dma_start3A = arith.constant 0 : i32
    %dma_start3A_3 = arith.constant 0 : i32
    %dma_start3A_4 = arith.constant 0 : i32
    %dma_start3A_5 = arith.constant 0 : i32
    %dma_start3A_6 = arith.constant 0 : i32
    %dma_start3A_7 = tpu.memref_slice %arg6[%dma_start3A, %dma_start3A_4, %dma_start3A_5, %dma_start3A_6] : memref<2x200x2x128xf32, #tpu.memory_space<vmem>> -> memref<1x100x2x128xf32, #tpu.memory_space<vmem>>
    %dma_start3A_8 = tpu.memref_squeeze %dma_start3A_7 : memref<1x100x2x128xf32, #tpu.memory_space<vmem>> -> memref<100x2x128xf32, #tpu.memory_space<vmem>>
    %dma_start3A_9 = arith.constant 0 : i32
    %dma_start3A_10 = arith.constant 0 : i32
    %dma_start3A_11 = tpu.memref_slice %arg2[%dma_start3A_9, %dma_start3A_10, %mul3A_2] : memref<200x64x4096xf32, #tpu.memory_space<hbm>> -> memref<100x2x128xf32, #tpu.memory_space<hbm>>
    %dma_start3A_12 = tpu.memref_slice %arg8[%dma_start3A_3] : memref<2x!tpu.dma_semaphore, #tpu.memory_space<semaphore_mem>> -> memref<1x!tpu.dma_semaphore, #tpu.memory_space<semaphore_mem>>
    %dma_start3A_13 = tpu.memref_squeeze %dma_start3A_12 : memref<1x!tpu.dma_semaphore, #tpu.memory_space<semaphore_mem>> -> memref<!tpu.dma_semaphore, #tpu.memory_space<semaphore_mem>>
    %dma_start3A_14 = arith.constant 0 : i32
    %dma_start3A_15 = arith.constant 0 : i32
    %dma_start3A_16 = arith.constant 0 : i32
    %dma_start3A_17 = tpu.memref_slice %arg6[%dma_start3A, %dma_start3A_14, %dma_start3A_15, %dma_start3A_16] : memref<2x200x2x128xf32, #tpu.memory_space<vmem>> -> memref<1x100x2x128xf32, #tpu.memory_space<vmem>>
    %dma_start3A_18 = tpu.memref_squeeze %dma_start3A_17 : memref<1x100x2x128xf32, #tpu.memory_space<vmem>> -> memref<100x2x128xf32, #tpu.memory_space<vmem>>
    %dma_start3A_19 = arith.constant 0 : i32
    %dma_start3A_20 = arith.constant 0 : i32
    %dma_start3A_21 = tpu.memref_slice %arg2[%dma_start3A_19, %dma_start3A_20, %mul3A_2] : memref<200x64x4096xf32, #tpu.memory_space<hbm>> -> memref<100x2x128xf32, #tpu.memory_space<hbm>>
    tpu.enqueue_dma source(%dma_start3A_21 : memref<100x2x128xf32, #tpu.memory_space<hbm>>) target(%dma_start3A_18 : memref<100x2x128xf32, #tpu.memory_space<vmem>>) target_semaphore(%dma_start3A_13 : memref<!tpu.dma_semaphore, #tpu.memory_space<semaphore_mem>>)
    %dma_start3A_22 = arith.constant 0 : i32
    %dma_start3A_23 = arith.constant 0 : i32
    %dma_start3A_24 = arith.constant 100 : i32
    %dma_start3A_25 = arith.constant 0 : i32
    %dma_start3A_26 = arith.constant 0 : i32
    %dma_start3A_27 = tpu.memref_slice %arg6[%dma_start3A_22, %dma_start3A_24, %dma_start3A_25, %dma_start3A_26] : memref<2x200x2x128xf32, #tpu.memory_space<vmem>> -> memref<1x100x2x128xf32, #tpu.memory_space<vmem>>
    %dma_start3A_28 = tpu.memref_squeeze %dma_start3A_27 : memref<1x100x2x128xf32, #tpu.memory_space<vmem>> -> memref<100x2x128xf32, #tpu.memory_space<vmem>>
    %dma_start3A_29 = arith.constant 100 : i32
    %dma_start3A_30 = arith.constant 0 : i32
    %dma_start3A_31 = tpu.memref_slice %arg2[%dma_start3A_29, %dma_start3A_30, %mul3A_2] : memref<200x64x4096xf32, #tpu.memory_space<hbm>> -> memref<100x2x128xf32, #tpu.memory_space<hbm>>
    %dma_start3A_32 = tpu.memref_slice %arg8[%dma_start3A_23] : memref<2x!tpu.dma_semaphore, #tpu.memory_space<semaphore_mem>> -> memref<1x!tpu.dma_semaphore, #tpu.memory_space<semaphore_mem>>
    %dma_start3A_33 = tpu.memref_squeeze %dma_start3A_32 : memref<1x!tpu.dma_semaphore, #tpu.memory_space<semaphore_mem>> -> memref<!tpu.dma_semaphore, #tpu.memory_space<semaphore_mem>>
    %dma_start3A_34 = arith.constant 100 : i32
    %dma_start3A_35 = arith.constant 0 : i32
    %dma_start3A_36 = arith.constant 0 : i32
    %dma_start3A_37 = tpu.memref_slice %arg6[%dma_start3A_22, %dma_start3A_34, %dma_start3A_35, %dma_start3A_36] : memref<2x200x2x128xf32, #tpu.memory_space<vmem>> -> memref<1x100x2x128xf32, #tpu.memory_space<vmem>>
    %dma_start3A_38 = tpu.memref_squeeze %dma_start3A_37 : memref<1x100x2x128xf32, #tpu.memory_space<vmem>> -> memref<100x2x128xf32, #tpu.memory_space<vmem>>
    %dma_start3A_39 = arith.constant 100 : i32
    %dma_start3A_40 = arith.constant 0 : i32
    %dma_start3A_41 = tpu.memref_slice %arg2[%dma_start3A_39, %dma_start3A_40, %mul3A_2] : memref<200x64x4096xf32, #tpu.memory_space<hbm>> -> memref<100x2x128xf32, #tpu.memory_space<hbm>>
    tpu.enqueue_dma source(%dma_start3A_41 : memref<100x2x128xf32, #tpu.memory_space<hbm>>) target(%dma_start3A_38 : memref<100x2x128xf32, #tpu.memory_space<vmem>>) target_semaphore(%dma_start3A_33 : memref<!tpu.dma_semaphore, #tpu.memory_space<semaphore_mem>>)
    %dma_start3A_42 = arith.constant 1 : i32
    %dma_start3A_43 = arith.constant 1 : i32
    %dma_start3A_44 = arith.constant 0 : i32
    %dma_start3A_45 = arith.constant 0 : i32
    %dma_start3A_46 = arith.constant 0 : i32
    %dma_start3A_47 = tpu.memref_slice %arg6[%dma_start3A_42, %dma_start3A_44, %dma_start3A_45, %dma_start3A_46] : memref<2x200x2x128xf32, #tpu.memory_space<vmem>> -> memref<1x100x2x128xf32, #tpu.memory_space<vmem>>
    %dma_start3A_48 = tpu.memref_squeeze %dma_start3A_47 : memref<1x100x2x128xf32, #tpu.memory_space<vmem>> -> memref<100x2x128xf32, #tpu.memory_space<vmem>>
    %dma_start3A_49 = arith.constant 0 : i32
    %dma_start3A_50 = arith.constant 2 : i32
    %dma_start3A_51 = tpu.memref_slice %arg2[%dma_start3A_49, %dma_start3A_50, %mul3A_2] : memref<200x64x4096xf32, #tpu.memory_space<hbm>> -> memref<100x2x128xf32, #tpu.memory_space<hbm>>
    %dma_start3A_52 = tpu.memref_slice %arg8[%dma_start3A_43] : memref<2x!tpu.dma_semaphore, #tpu.memory_space<semaphore_mem>> -> memref<1x!tpu.dma_semaphore, #tpu.memory_space<semaphore_mem>>
    %dma_start3A_53 = tpu.memref_squeeze %dma_start3A_52 : memref<1x!tpu.dma_semaphore, #tpu.memory_space<semaphore_mem>> -> memref<!tpu.dma_semaphore, #tpu.memory_space<semaphore_mem>>
    %dma_start3A_54 = arith.constant 0 : i32
    %dma_start3A_55 = arith.constant 0 : i32
    %dma_start3A_56 = arith.constant 0 : i32
    %dma_start3A_57 = tpu.memref_slice %arg6[%dma_start3A_42, %dma_start3A_54, %dma_start3A_55, %dma_start3A_56] : memref<2x200x2x128xf32, #tpu.memory_space<vmem>> -> memref<1x100x2x128xf32, #tpu.memory_space<vmem>>
    %dma_start3A_58 = tpu.memref_squeeze %dma_start3A_57 : memref<1x100x2x128xf32, #tpu.memory_space<vmem>> -> memref<100x2x128xf32, #tpu.memory_space<vmem>>
    %dma_start3A_59 = arith.constant 0 : i32
    %dma_start3A_60 = arith.constant 2 : i32
    %dma_start3A_61 = tpu.memref_slice %arg2[%dma_start3A_59, %dma_start3A_60, %mul3A_2] : memref<200x64x4096xf32, #tpu.memory_space<hbm>> -> memref<100x2x128xf32, #tpu.memory_space<hbm>>
    tpu.enqueue_dma source(%dma_start3A_61 : memref<100x2x128xf32, #tpu.memory_space<hbm>>) target(%dma_start3A_58 : memref<100x2x128xf32, #tpu.memory_space<vmem>>) target_semaphore(%dma_start3A_53 : memref<!tpu.dma_semaphore, #tpu.memory_space<semaphore_mem>>)
    %dma_start3A_62 = arith.constant 1 : i32
    %dma_start3A_63 = arith.constant 1 : i32
    %dma_start3A_64 = arith.constant 100 : i32
    %dma_start3A_65 = arith.constant 0 : i32
    %dma_start3A_66 = arith.constant 0 : i32
    %dma_start3A_67 = tpu.memref_slice %arg6[%dma_start3A_62, %dma_start3A_64, %dma_start3A_65, %dma_start3A_66] : memref<2x200x2x128xf32, #tpu.memory_space<vmem>> -> memref<1x100x2x128xf32, #tpu.memory_space<vmem>>
    %dma_start3A_68 = tpu.memref_squeeze %dma_start3A_67 : memref<1x100x2x128xf32, #tpu.memory_space<vmem>> -> memref<100x2x128xf32, #tpu.memory_space<vmem>>
    %dma_start3A_69 = arith.constant 100 : i32
    %dma_start3A_70 = arith.constant 2 : i32
    %dma_start3A_71 = tpu.memref_slice %arg2[%dma_start3A_69, %dma_start3A_70, %mul3A_2] : memref<200x64x4096xf32, #tpu.memory_space<hbm>> -> memref<100x2x128xf32, #tpu.memory_space<hbm>>
    %dma_start3A_72 = tpu.memref_slice %arg8[%dma_start3A_63] : memref<2x!tpu.dma_semaphore, #tpu.memory_space<semaphore_mem>> -> memref<1x!tpu.dma_semaphore, #tpu.memory_space<semaphore_mem>>
    %dma_start3A_73 = tpu.memref_squeeze %dma_start3A_72 : memref<1x!tpu.dma_semaphore, #tpu.memory_space<semaphore_mem>> -> memref<!tpu.dma_semaphore, #tpu.memory_space<semaphore_mem>>
    %dma_start3A_74 = arith.constant 100 : i32
    %dma_start3A_75 = arith.constant 0 : i32
    %dma_start3A_76 = arith.constant 0 : i32
    %dma_start3A_77 = tpu.memref_slice %arg6[%dma_start3A_62, %dma_start3A_74, %dma_start3A_75, %dma_start3A_76] : memref<2x200x2x128xf32, #tpu.memory_space<vmem>> -> memref<1x100x2x128xf32, #tpu.memory_space<vmem>>
    %dma_start3A_78 = tpu.memref_squeeze %dma_start3A_77 : memref<1x100x2x128xf32, #tpu.memory_space<vmem>> -> memref<100x2x128xf32, #tpu.memory_space<vmem>>
    %dma_start3A_79 = arith.constant 100 : i32
    %dma_start3A_80 = arith.constant 2 : i32
    %dma_start3A_81 = tpu.memref_slice %arg2[%dma_start3A_79, %dma_start3A_80, %mul3A_2] : memref<200x64x4096xf32, #tpu.memory_space<hbm>> -> memref<100x2x128xf32, #tpu.memory_space<hbm>>
    tpu.enqueue_dma source(%dma_start3A_81 : memref<100x2x128xf32, #tpu.memory_space<hbm>>) target(%dma_start3A_78 : memref<100x2x128xf32, #tpu.memory_space<vmem>>) target_semaphore(%dma_start3A_73 : memref<!tpu.dma_semaphore, #tpu.memory_space<semaphore_mem>>)
    "tpu.region"() ({
      %run_scoped3A = tpu.sem_alloc : memref<!tpu.dma_semaphore, #tpu.memory_space<semaphore_mem>>
      %dma_start3A_122 = arith.constant 0 : i32
      %dma_start3A_123 = tpu.memref_slice %arg3[%dma_start3A_122, %mul3A_2] : memref<50x4096xi32, #tpu.memory_space<hbm>> -> memref<50x128xi32, #tpu.memory_space<hbm>>
      %dma_start3A_124 = arith.constant 0 : i32
      %dma_start3A_125 = tpu.memref_slice %arg3[%dma_start3A_124, %mul3A_2] : memref<50x4096xi32, #tpu.memory_space<hbm>> -> memref<50x128xi32, #tpu.memory_space<hbm>>
      tpu.enqueue_dma source(%dma_start3A_125 : memref<50x128xi32, #tpu.memory_space<hbm>>) target(%arg5 : memref<50x128xi32, #tpu.memory_space<vmem>>) target_semaphore(%run_scoped3A : memref<!tpu.dma_semaphore, #tpu.memory_space<semaphore_mem>>)
      %dma_wait3A_126 = arith.constant 0 : i32
      %dma_wait3A_127 = tpu.memref_slice %arg3[%dma_wait3A_126, %mul3A_2] : memref<50x4096xi32, #tpu.memory_space<hbm>> -> memref<50x128xi32, #tpu.memory_space<hbm>>
      %dma_wait3A_128 = arith.constant 0 : i32
      %dma_wait3A_129 = tpu.memref_slice %arg3[%dma_wait3A_128, %mul3A_2] : memref<50x4096xi32, #tpu.memory_space<hbm>> -> memref<50x128xi32, #tpu.memory_space<hbm>>
      tpu.wait_dma2 semaphore(%run_scoped3A : memref<!tpu.dma_semaphore, #tpu.memory_space<semaphore_mem>>) src(%dma_wait3A_129 : memref<50x128xi32, #tpu.memory_space<hbm>>) dst(%arg5 : memref<50x128xi32, #tpu.memory_space<vmem>>)
      tpu.yield
    }) : () -> ()
    %iota3A = tpu.iota {dimensions = array<i32: 0>} : vector<16xi32>
    %broadcast_in_dim3A = arith.constant 0 : i32
    %broadcast_in_dim3A_82 = vector.broadcast %broadcast_in_dim3A : i32 to vector<16xi32>
    %add3A_83 = arith.addi %broadcast_in_dim3A_82, %iota3A : vector<16xi32>
    %broadcast_in_dim3A_84 = arith.constant 16 : i32
    %broadcast_in_dim3A_85 = vector.broadcast %broadcast_in_dim3A_84 : i32 to vector<16xi32>
    %add3A_86 = arith.addi %broadcast_in_dim3A_85, %iota3A : vector<16xi32>
    %broadcast_in_dim3A_87 = arith.constant 32 : i32
    %broadcast_in_dim3A_88 = vector.broadcast %broadcast_in_dim3A_87 : i32 to vector<16xi32>
    %add3A_89 = arith.addi %broadcast_in_dim3A_88, %iota3A : vector<16xi32>
    %broadcast_in_dim3A_90 = arith.constant 48 : i32
    %broadcast_in_dim3A_91 = vector.broadcast %broadcast_in_dim3A_90 : i32 to vector<16xi32>
    %add3A_92 = arith.addi %broadcast_in_dim3A_91, %iota3A : vector<16xi32>
    %broadcast_in_dim3A_93 = arith.constant 64 : i32
    %broadcast_in_dim3A_94 = vector.broadcast %broadcast_in_dim3A_93 : i32 to vector<16xi32>
    %add3A_95 = arith.addi %broadcast_in_dim3A_94, %iota3A : vector<16xi32>
    %broadcast_in_dim3A_96 = arith.constant 80 : i32
    %broadcast_in_dim3A_97 = vector.broadcast %broadcast_in_dim3A_96 : i32 to vector<16xi32>
    %add3A_98 = arith.addi %broadcast_in_dim3A_97, %iota3A : vector<16xi32>
    %broadcast_in_dim3A_99 = arith.constant 96 : i32
    %broadcast_in_dim3A_100 = vector.broadcast %broadcast_in_dim3A_99 : i32 to vector<16xi32>
    %add3A_101 = arith.addi %broadcast_in_dim3A_100, %iota3A : vector<16xi32>
    %broadcast_in_dim3A_102 = arith.constant 112 : i32
    %broadcast_in_dim3A_103 = vector.broadcast %broadcast_in_dim3A_102 : i32 to vector<16xi32>
    %add3A_104 = arith.addi %broadcast_in_dim3A_103, %iota3A : vector<16xi32>
    %broadcast_in_dim3A_105 = arith.constant 0 : i32
    %broadcast_in_dim3A_106 = vector.broadcast %broadcast_in_dim3A_105 : i32 to vector<16xi32>
    %broadcast_in_dim3A_107 = arith.constant 256 : i32
    %broadcast_in_dim3A_108 = vector.broadcast %broadcast_in_dim3A_107 : i32 to vector<16xi32>
    %broadcast_in_dim3A_109 = arith.constant 128 : i32
    %broadcast_in_dim3A_110 = vector.broadcast %broadcast_in_dim3A_109 : i32 to vector<16xi32>
    %parallel_loop3A = arith.constant 0 : i32
    %parallel_loop3A_111 = arith.constant 50 : i32
    %parallel_loop3A_112 = arith.constant 1 : i32
    scf.for %parallel_loop3A_122 = %parallel_loop3A to %parallel_loop3A_111 step %parallel_loop3A_112  : i32 {
      %parallel_loop3A_123 = arith.index_cast %parallel_loop3A_122 : i32 to index
      %parallel_loop3A_124 = arith.constant 0 : index
      %parallel_loop3A_125 = tpu.vector_load %arg5[%parallel_loop3A_123, %parallel_loop3A_124] {strides = array<i32>} : memref<50x128xi32, #tpu.memory_space<vmem>>, vector<16xi32>,
      %parallel_loop3A_126 = arith.muli %parallel_loop3A_125, %broadcast_in_dim3A_108 : vector<16xi32>
      %parallel_loop3A_127 = arith.addi %parallel_loop3A_126, %add3A_83 : vector<16xi32>
      %parallel_loop3A_128 = arith.index_cast %parallel_loop3A_122 : i32 to index
      %parallel_loop3A_129 = arith.constant 0 : index
      %parallel_loop3A_130 = tpu.vector_load %arg5[%parallel_loop3A_128, %parallel_loop3A_129] {strides = array<i32>} : memref<50x128xi32, #tpu.memory_space<vmem>>, vector<16xi32>,
      tpu.vector_store %arg5[%parallel_loop3A_128, %parallel_loop3A_129], %parallel_loop3A_127 {strides = array<i32>} : memref<50x128xi32, #tpu.memory_space<vmem>>, vector<16xi32>,
      %parallel_loop3A_131 = arith.index_cast %parallel_loop3A_122 : i32 to index
      %parallel_loop3A_132 = arith.constant 16 : index
      %parallel_loop3A_133 = tpu.vector_load %arg5[%parallel_loop3A_131, %parallel_loop3A_132] {strides = array<i32>} : memref<50x128xi32, #tpu.memory_space<vmem>>, vector<16xi32>,
      %parallel_loop3A_134 = arith.muli %parallel_loop3A_133, %broadcast_in_dim3A_108 : vector<16xi32>
      %parallel_loop3A_135 = arith.addi %parallel_loop3A_134, %add3A_86 : vector<16xi32>
      %parallel_loop3A_136 = arith.index_cast %parallel_loop3A_122 : i32 to index
      %parallel_loop3A_137 = arith.constant 16 : index
      %parallel_loop3A_138 = tpu.vector_load %arg5[%parallel_loop3A_136, %parallel_loop3A_137] {strides = array<i32>} : memref<50x128xi32, #tpu.memory_space<vmem>>, vector<16xi32>,
      tpu.vector_store %arg5[%parallel_loop3A_136, %parallel_loop3A_137], %parallel_loop3A_135 {strides = array<i32>} : memref<50x128xi32, #tpu.memory_space<vmem>>, vector<16xi32>,
      %parallel_loop3A_139 = arith.index_cast %parallel_loop3A_122 : i32 to index
      %parallel_loop3A_140 = arith.constant 32 : index
      %parallel_loop3A_141 = tpu.vector_load %arg5[%parallel_loop3A_139, %parallel_loop3A_140] {strides = array<i32>} : memref<50x128xi32, #tpu.memory_space<vmem>>, vector<16xi32>,
      %parallel_loop3A_142 = arith.muli %parallel_loop3A_141, %broadcast_in_dim3A_108 : vector<16xi32>
      %parallel_loop3A_143 = arith.addi %parallel_loop3A_142, %add3A_89 : vector<16xi32>
      %parallel_loop3A_144 = arith.index_cast %parallel_loop3A_122 : i32 to index
      %parallel_loop3A_145 = arith.constant 32 : index
      %parallel_loop3A_146 = tpu.vector_load %arg5[%parallel_loop3A_144, %parallel_loop3A_145] {strides = array<i32>} : memref<50x128xi32, #tpu.memory_space<vmem>>, vector<16xi32>,
      tpu.vector_store %arg5[%parallel_loop3A_144, %parallel_loop3A_145], %parallel_loop3A_143 {strides = array<i32>} : memref<50x128xi32, #tpu.memory_space<vmem>>, vector<16xi32>,
      %parallel_loop3A_147 = arith.index_cast %parallel_loop3A_122 : i32 to index
      %parallel_loop3A_148 = arith.constant 48 : index
      %parallel_loop3A_149 = tpu.vector_load %arg5[%parallel_loop3A_147, %parallel_loop3A_148] {strides = array<i32>} : memref<50x128xi32, #tpu.memory_space<vmem>>, vector<16xi32>,
      %parallel_loop3A_150 = arith.muli %parallel_loop3A_149, %broadcast_in_dim3A_108 : vector<16xi32>
      %parallel_loop3A_151 = arith.addi %parallel_loop3A_150, %add3A_92 : vector<16xi32>
      %parallel_loop3A_152 = arith.index_cast %parallel_loop3A_122 : i32 to index
      %parallel_loop3A_153 = arith.constant 48 : index
      %parallel_loop3A_154 = tpu.vector_load %arg5[%parallel_loop3A_152, %parallel_loop3A_153] {strides = array<i32>} : memref<50x128xi32, #tpu.memory_space<vmem>>, vector<16xi32>,
      tpu.vector_store %arg5[%parallel_loop3A_152, %parallel_loop3A_153], %parallel_loop3A_151 {strides = array<i32>} : memref<50x128xi32, #tpu.memory_space<vmem>>, vector<16xi32>,
      %parallel_loop3A_155 = arith.index_cast %parallel_loop3A_122 : i32 to index
      %parallel_loop3A_156 = arith.constant 64 : index
      %parallel_loop3A_157 = tpu.vector_load %arg5[%parallel_loop3A_155, %parallel_loop3A_156] {strides = array<i32>} : memref<50x128xi32, #tpu.memory_space<vmem>>, vector<16xi32>,
      %parallel_loop3A_158 = arith.muli %parallel_loop3A_157, %broadcast_in_dim3A_108 : vector<16xi32>
      %parallel_loop3A_159 = arith.addi %parallel_loop3A_158, %add3A_95 : vector<16xi32>
      %parallel_loop3A_160 = arith.index_cast %parallel_loop3A_122 : i32 to index
      %parallel_loop3A_161 = arith.constant 64 : index
      %parallel_loop3A_162 = tpu.vector_load %arg5[%parallel_loop3A_160, %parallel_loop3A_161] {strides = array<i32>} : memref<50x128xi32, #tpu.memory_space<vmem>>, vector<16xi32>,
      tpu.vector_store %arg5[%parallel_loop3A_160, %parallel_loop3A_161], %parallel_loop3A_159 {strides = array<i32>} : memref<50x128xi32, #tpu.memory_space<vmem>>, vector<16xi32>,
      %parallel_loop3A_163 = arith.index_cast %parallel_loop3A_122 : i32 to index
      %parallel_loop3A_164 = arith.constant 80 : index
      %parallel_loop3A_165 = tpu.vector_load %arg5[%parallel_loop3A_163, %parallel_loop3A_164] {strides = array<i32>} : memref<50x128xi32, #tpu.memory_space<vmem>>, vector<16xi32>,
      %parallel_loop3A_166 = arith.muli %parallel_loop3A_165, %broadcast_in_dim3A_108 : vector<16xi32>
      %parallel_loop3A_167 = arith.addi %parallel_loop3A_166, %add3A_98 : vector<16xi32>
      %parallel_loop3A_168 = arith.index_cast %parallel_loop3A_122 : i32 to index
      %parallel_loop3A_169 = arith.constant 80 : index
      %parallel_loop3A_170 = tpu.vector_load %arg5[%parallel_loop3A_168, %parallel_loop3A_169] {strides = array<i32>} : memref<50x128xi32, #tpu.memory_space<vmem>>, vector<16xi32>,
      tpu.vector_store %arg5[%parallel_loop3A_168, %parallel_loop3A_169], %parallel_loop3A_167 {strides = array<i32>} : memref<50x128xi32, #tpu.memory_space<vmem>>, vector<16xi32>,
      %parallel_loop3A_171 = arith.index_cast %parallel_loop3A_122 : i32 to index
      %parallel_loop3A_172 = arith.constant 96 : index
      %parallel_loop3A_173 = tpu.vector_load %arg5[%parallel_loop3A_171, %parallel_loop3A_172] {strides = array<i32>} : memref<50x128xi32, #tpu.memory_space<vmem>>, vector<16xi32>,
      %parallel_loop3A_174 = arith.muli %parallel_loop3A_173, %broadcast_in_dim3A_108 : vector<16xi32>
      %parallel_loop3A_175 = arith.addi %parallel_loop3A_174, %add3A_101 : vector<16xi32>
      %parallel_loop3A_176 = arith.index_cast %parallel_loop3A_122 : i32 to index
      %parallel_loop3A_177 = arith.constant 96 : index
      %parallel_loop3A_178 = tpu.vector_load %arg5[%parallel_loop3A_176, %parallel_loop3A_177] {strides = array<i32>} : memref<50x128xi32, #tpu.memory_space<vmem>>, vector<16xi32>,
      tpu.vector_store %arg5[%parallel_loop3A_176, %parallel_loop3A_177], %parallel_loop3A_175 {strides = array<i32>} : memref<50x128xi32, #tpu.memory_space<vmem>>, vector<16xi32>,
      %parallel_loop3A_179 = arith.index_cast %parallel_loop3A_122 : i32 to index
      %parallel_loop3A_180 = arith.constant 112 : index
      %parallel_loop3A_181 = tpu.vector_load %arg5[%parallel_loop3A_179, %parallel_loop3A_180] {strides = array<i32>} : memref<50x128xi32, #tpu.memory_space<vmem>>, vector<16xi32>,
      %parallel_loop3A_182 = arith.muli %parallel_loop3A_181, %broadcast_in_dim3A_108 : vector<16xi32>
      %parallel_loop3A_183 = arith.addi %parallel_loop3A_182, %add3A_104 : vector<16xi32>
      %parallel_loop3A_184 = arith.index_cast %parallel_loop3A_122 : i32 to index
      %parallel_loop3A_185 = arith.constant 112 : index
      %parallel_loop3A_186 = tpu.vector_load %arg5[%parallel_loop3A_184, %parallel_loop3A_185] {strides = array<i32>} : memref<50x128xi32, #tpu.memory_space<vmem>>, vector<16xi32>,
      tpu.vector_store %arg5[%parallel_loop3A_184, %parallel_loop3A_185], %parallel_loop3A_183 {strides = array<i32>} : memref<50x128xi32, #tpu.memory_space<vmem>>, vector<16xi32>,
    } {sc.loop_unroll_factor = 2 : i64, sc.parallel_access}
    %scan3A = arith.constant 0 : i32
    %scan3A_113 = arith.constant 16 : i32
    %scan3A_114 = arith.addi %scan3A, %scan3A_113 : i32
    %scan3A_115 = arith.constant 1 : i32
    scf.for %scan3A_122 = %scan3A to %scan3A_114 step %scan3A_115  : i32 {
      %mul3A_123 = arith.constant 2 : i32
      %mul3A_124 = arith.muli %scan3A_122, %mul3A_123 : i32
      %dma_wait3A_125 = arith.constant 0 : i32
      %dma_wait3A_126 = arith.constant 0 : i32
      %dma_wait3A_127 = arith.constant 0 : i32
      %dma_wait3A_128 = arith.constant 0 : i32
      %dma_wait3A_129 = arith.constant 0 : i32
      %dma_wait3A_130 = tpu.memref_slice %arg6[%dma_wait3A_125, %dma_wait3A_127, %dma_wait3A_128, %dma_wait3A_129] : memref<2x200x2x128xf32, #tpu.memory_space<vmem>> -> memref<1x200x2x128xf32, #tpu.memory_space<vmem>>
      %dma_wait3A_131 = tpu.memref_squeeze %dma_wait3A_130 : memref<1x200x2x128xf32, #tpu.memory_space<vmem>> -> memref<200x2x128xf32, #tpu.memory_space<vmem>>
      %dma_wait3A_132 = arith.constant 0 : i32
      %dma_wait3A_133 = arith.constant 0 : i32
      %dma_wait3A_134 = tpu.memref_slice %arg2[%dma_wait3A_132, %dma_wait3A_133, %mul3A_2] : memref<200x64x4096xf32, #tpu.memory_space<hbm>> -> memref<200x2x128xf32, #tpu.memory_space<hbm>>
      %dma_wait3A_135 = tpu.memref_slice %arg8[%dma_wait3A_126] : memref<2x!tpu.dma_semaphore, #tpu.memory_space<semaphore_mem>> -> memref<1x!tpu.dma_semaphore, #tpu.memory_space<semaphore_mem>>
      %dma_wait3A_136 = tpu.memref_squeeze %dma_wait3A_135 : memref<1x!tpu.dma_semaphore, #tpu.memory_space<semaphore_mem>> -> memref<!tpu.dma_semaphore, #tpu.memory_space<semaphore_mem>>
      %dma_wait3A_137 = arith.constant 0 : i32
      %dma_wait3A_138 = arith.constant 0 : i32
      %dma_wait3A_139 = arith.constant 0 : i32
      %dma_wait3A_140 = tpu.memref_slice %arg6[%dma_wait3A_125, %dma_wait3A_137, %dma_wait3A_138, %dma_wait3A_139] : memref<2x200x2x128xf32, #tpu.memory_space<vmem>> -> memref<1x200x2x128xf32, #tpu.memory_space<vmem>>
      %dma_wait3A_141 = tpu.memref_squeeze %dma_wait3A_140 : memref<1x200x2x128xf32, #tpu.memory_space<vmem>> -> memref<200x2x128xf32, #tpu.memory_space<vmem>>
      %dma_wait3A_142 = arith.constant 0 : i32
      %dma_wait3A_143 = arith.constant 0 : i32
      %dma_wait3A_144 = tpu.memref_slice %arg2[%dma_wait3A_142, %dma_wait3A_143, %mul3A_2] : memref<200x64x4096xf32, #tpu.memory_space<hbm>> -> memref<200x2x128xf32, #tpu.memory_space<hbm>>
      tpu.wait_dma2 semaphore(%dma_wait3A_136 : memref<!tpu.dma_semaphore, #tpu.memory_space<semaphore_mem>>) src(%dma_wait3A_144 : memref<200x2x128xf32, #tpu.memory_space<hbm>>) dst(%dma_wait3A_141 : memref<200x2x128xf32, #tpu.memory_space<vmem>>)
      %gt3A = arith.constant 0 : i32
      %gt3A_145 = arith.cmpi sgt, %mul3A_124, %gt3A : i32
      %convert_element_type3A = arith.extui %gt3A_145 : i1 to i32
      %cond3A = arith.constant 0 : i32
      %cond3A_146 = arith.cmpi ne, %convert_element_type3A, %cond3A : i32
      scf.if %cond3A_146 {
        %dma_wait3A_207 = arith.constant 0 : i32
        %dma_wait3A_208 = arith.constant 0 : i32
        %dma_wait3A_209 = tpu.memref_slice %arg4[%dma_wait3A_207, %dma_wait3A_208, %mul3A_2] : memref<50x64x4096xf32, #tpu.memory_space<hbm>> -> memref<50x2x128xf32, #tpu.memory_space<hbm>>
        %dma_wait3A_210 = arith.constant 0 : i32
        %dma_wait3A_211 = arith.constant 0 : i32
        %dma_wait3A_212 = tpu.memref_slice %arg4[%dma_wait3A_210, %dma_wait3A_211, %mul3A_2] : memref<50x64x4096xf32, #tpu.memory_space<hbm>> -> memref<50x2x128xf32, #tpu.memory_space<hbm>>
        tpu.wait_dma2 semaphore(%arg9 : memref<!tpu.dma_semaphore, #tpu.memory_space<semaphore_mem>>) src(%arg7 : memref<50x2x128xf32, #tpu.memory_space<vmem>>) dst(%dma_wait3A_212 : memref<50x2x128xf32, #tpu.memory_space<hbm>>)
      } else {
      }
      %parallel_loop3A_147 = arith.constant 0 : i32
      %parallel_loop3A_148 = arith.constant 50 : i32
      %parallel_loop3A_149 = arith.constant 1 : i32
      scf.for %parallel_loop3A_207 = %parallel_loop3A_147 to %parallel_loop3A_148 step %parallel_loop3A_149  : i32 {
        %parallel_loop3A_208 = arith.index_cast %parallel_loop3A_207 : i32 to index
        %parallel_loop3A_209 = arith.constant 0 : index
        %parallel_loop3A_210 = tpu.vector_load %arg5[%parallel_loop3A_208, %parallel_loop3A_209] {strides = array<i32>} : memref<50x128xi32, #tpu.memory_space<vmem>>, vector<16xi32>,
        %parallel_loop3A_211 = arith.constant 0 : i32
        %parallel_loop3A_212 = arith.constant 0 : i32
        %parallel_loop3A_213 = arith.constant 0 : i32
        %parallel_loop3A_214 = arith.constant 0 : i32
        %parallel_loop3A_215 = tpu.memref_slice %arg6[%parallel_loop3A_211, %parallel_loop3A_212, %parallel_loop3A_213, %parallel_loop3A_214] : memref<2x200x2x128xf32, #tpu.memory_space<vmem>> -> memref<1x200x2x128xf32, #tpu.memory_space<vmem>>
        %parallel_loop3A_216 = tpu.memref_squeeze %parallel_loop3A_215 : memref<1x200x2x128xf32, #tpu.memory_space<vmem>> -> memref<200x2x128xf32, #tpu.memory_space<vmem>>
        %parallel_loop3A_217 = tpu.vector_load_idx %parallel_loop3A_216[%broadcast_in_dim3A_106, %broadcast_in_dim3A_106, %parallel_loop3A_210] : memref<200x2x128xf32, #tpu.memory_space<vmem>>[vector<16xi32>, vector<16xi32>, vector<16xi32>], vector<16xf32>,
        %parallel_loop3A_218 = arith.constant 0 : i32
        %parallel_loop3A_219 = arith.index_cast %parallel_loop3A_207 : i32 to index
        %parallel_loop3A_220 = arith.index_cast %parallel_loop3A_218 : i32 to index
        %parallel_loop3A_221 = arith.constant 0 : index
        %parallel_loop3A_222 = tpu.vector_load %arg7[%parallel_loop3A_219, %parallel_loop3A_220, %parallel_loop3A_221] {strides = array<i32>} : memref<50x2x128xf32, #tpu.memory_space<vmem>>, vector<16xf32>,
        tpu.vector_store %arg7[%parallel_loop3A_219, %parallel_loop3A_220, %parallel_loop3A_221], %parallel_loop3A_217 {strides = array<i32>} : memref<50x2x128xf32, #tpu.memory_space<vmem>>, vector<16xf32>,
        %parallel_loop3A_223 = arith.constant 1 : i32
        %parallel_loop3A_224 = vector.broadcast %parallel_loop3A_223 : i32 to vector<16xi32>
        %parallel_loop3A_225 = arith.muli %parallel_loop3A_224, %broadcast_in_dim3A_110 : vector<16xi32>
        %parallel_loop3A_226 = arith.addi %parallel_loop3A_210, %parallel_loop3A_225 : vector<16xi32>
        %parallel_loop3A_227 = arith.constant 0 : i32
        %parallel_loop3A_228 = arith.constant 0 : i32
        %parallel_loop3A_229 = arith.constant 0 : i32
        %parallel_loop3A_230 = arith.constant 0 : i32
        %parallel_loop3A_231 = tpu.memref_slice %arg6[%parallel_loop3A_227, %parallel_loop3A_228, %parallel_loop3A_229, %parallel_loop3A_230] : memref<2x200x2x128xf32, #tpu.memory_space<vmem>> -> memref<1x200x2x128xf32, #tpu.memory_space<vmem>>
        %parallel_loop3A_232 = tpu.memref_squeeze %parallel_loop3A_231 : memref<1x200x2x128xf32, #tpu.memory_space<vmem>> -> memref<200x2x128xf32, #tpu.memory_space<vmem>>
        %parallel_loop3A_233 = tpu.vector_load_idx %parallel_loop3A_232[%broadcast_in_dim3A_106, %broadcast_in_dim3A_106, %parallel_loop3A_226] : memref<200x2x128xf32, #tpu.memory_space<vmem>>[vector<16xi32>, vector<16xi32>, vector<16xi32>], vector<16xf32>,
        %parallel_loop3A_234 = arith.constant 1 : i32
        %parallel_loop3A_235 = arith.index_cast %parallel_loop3A_207 : i32 to index
        %parallel_loop3A_236 = arith.index_cast %parallel_loop3A_234 : i32 to index
        %parallel_loop3A_237 = arith.constant 0 : index
        %parallel_loop3A_238 = tpu.vector_load %arg7[%parallel_loop3A_235, %parallel_loop3A_236, %parallel_loop3A_237] {strides = array<i32>} : memref<50x2x128xf32, #tpu.memory_space<vmem>>, vector<16xf32>,
        tpu.vector_store %arg7[%parallel_loop3A_235, %parallel_loop3A_236, %parallel_loop3A_237], %parallel_loop3A_233 {strides = array<i32>} : memref<50x2x128xf32, #tpu.memory_space<vmem>>, vector<16xf32>,
        %parallel_loop3A_239 = arith.index_cast %parallel_loop3A_207 : i32 to index
        %parallel_loop3A_240 = arith.constant 16 : index
        %parallel_loop3A_241 = tpu.vector_load %arg5[%parallel_loop3A_239, %parallel_loop3A_240] {strides = array<i32>} : memref<50x128xi32, #tpu.memory_space<vmem>>, vector<16xi32>,
        %parallel_loop3A_242 = arith.constant 0 : i32
        %parallel_loop3A_243 = arith.constant 0 : i32
        %parallel_loop3A_244 = arith.constant 0 : i32
        %parallel_loop3A_245 = arith.constant 0 : i32
        %parallel_loop3A_246 = tpu.memref_slice %arg6[%parallel_loop3A_242, %parallel_loop3A_243, %parallel_loop3A_244, %parallel_loop3A_245] : memref<2x200x2x128xf32, #tpu.memory_space<vmem>> -> memref<1x200x2x128xf32, #tpu.memory_space<vmem>>
        %parallel_loop3A_247 = tpu.memref_squeeze %parallel_loop3A_246 : memref<1x200x2x128xf32, #tpu.memory_space<vmem>> -> memref<200x2x128xf32, #tpu.memory_space<vmem>>
        %parallel_loop3A_248 = tpu.vector_load_idx %parallel_loop3A_247[%broadcast_in_dim3A_106, %broadcast_in_dim3A_106, %parallel_loop3A_241] : memref<200x2x128xf32, #tpu.memory_space<vmem>>[vector<16xi32>, vector<16xi32>, vector<16xi32>], vector<16xf32>,
        %parallel_loop3A_249 = arith.constant 0 : i32
        %parallel_loop3A_250 = arith.index_cast %parallel_loop3A_207 : i32 to index
        %parallel_loop3A_251 = arith.index_cast %parallel_loop3A_249 : i32 to index
        %parallel_loop3A_252 = arith.constant 16 : index
        %parallel_loop3A_253 = tpu.vector_load %arg7[%parallel_loop3A_250, %parallel_loop3A_251, %parallel_loop3A_252] {strides = array<i32>} : memref<50x2x128xf32, #tpu.memory_space<vmem>>, vector<16xf32>,
        tpu.vector_store %arg7[%parallel_loop3A_250, %parallel_loop3A_251, %parallel_loop3A_252], %parallel_loop3A_248 {strides = array<i32>} : memref<50x2x128xf32, #tpu.memory_space<vmem>>, vector<16xf32>,
        %parallel_loop3A_254 = arith.constant 1 : i32
        %parallel_loop3A_255 = vector.broadcast %parallel_loop3A_254 : i32 to vector<16xi32>
        %parallel_loop3A_256 = arith.muli %parallel_loop3A_255, %broadcast_in_dim3A_110 : vector<16xi32>
        %parallel_loop3A_257 = arith.addi %parallel_loop3A_241, %parallel_loop3A_256 : vector<16xi32>
        %parallel_loop3A_258 = arith.constant 0 : i32
        %parallel_loop3A_259 = arith.constant 0 : i32
        %parallel_loop3A_260 = arith.constant 0 : i32
        %parallel_loop3A_261 = arith.constant 0 : i32
        %parallel_loop3A_262 = tpu.memref_slice %arg6[%parallel_loop3A_258, %parallel_loop3A_259, %parallel_loop3A_260, %parallel_loop3A_261] : memref<2x200x2x128xf32, #tpu.memory_space<vmem>> -> memref<1x200x2x128xf32, #tpu.memory_space<vmem>>
        %parallel_loop3A_263 = tpu.memref_squeeze %parallel_loop3A_262 : memref<1x200x2x128xf32, #tpu.memory_space<vmem>> -> memref<200x2x128xf32, #tpu.memory_space<vmem>>
        %parallel_loop3A_264 = tpu.vector_load_idx %parallel_loop3A_263[%broadcast_in_dim3A_106, %broadcast_in_dim3A_106, %parallel_loop3A_257] : memref<200x2x128xf32, #tpu.memory_space<vmem>>[vector<16xi32>, vector<16xi32>, vector<16xi32>], vector<16xf32>,
        %parallel_loop3A_265 = arith.constant 1 : i32
        %parallel_loop3A_266 = arith.index_cast %parallel_loop3A_207 : i32 to index
        %parallel_loop3A_267 = arith.index_cast %parallel_loop3A_265 : i32 to index
        %parallel_loop3A_268 = arith.constant 16 : index
        %parallel_loop3A_269 = tpu.vector_load %arg7[%parallel_loop3A_266, %parallel_loop3A_267, %parallel_loop3A_268] {strides = array<i32>} : memref<50x2x128xf32, #tpu.memory_space<vmem>>, vector<16xf32>,
        tpu.vector_store %arg7[%parallel_loop3A_266, %parallel_loop3A_267, %parallel_loop3A_268], %parallel_loop3A_264 {strides = array<i32>} : memref<50x2x128xf32, #tpu.memory_space<vmem>>, vector<16xf32>,
        %parallel_loop3A_270 = arith.index_cast %parallel_loop3A_207 : i32 to index
        %parallel_loop3A_271 = arith.constant 32 : index
        %parallel_loop3A_272 = tpu.vector_load %arg5[%parallel_loop3A_270, %parallel_loop3A_271] {strides = array<i32>} : memref<50x128xi32, #tpu.memory_space<vmem>>, vector<16xi32>,
        %parallel_loop3A_273 = arith.constant 0 : i32
        %parallel_loop3A_274 = arith.constant 0 : i32
        %parallel_loop3A_275 = arith.constant 0 : i32
        %parallel_loop3A_276 = arith.constant 0 : i32
        %parallel_loop3A_277 = tpu.memref_slice %arg6[%parallel_loop3A_273, %parallel_loop3A_274, %parallel_loop3A_275, %parallel_loop3A_276] : memref<2x200x2x128xf32, #tpu.memory_space<vmem>> -> memref<1x200x2x128xf32, #tpu.memory_space<vmem>>
        %parallel_loop3A_278 = tpu.memref_squeeze %parallel_loop3A_277 : memref<1x200x2x128xf32, #tpu.memory_space<vmem>> -> memref<200x2x128xf32, #tpu.memory_space<vmem>>
        %parallel_loop3A_279 = tpu.vector_load_idx %parallel_loop3A_278[%broadcast_in_dim3A_106, %broadcast_in_dim3A_106, %parallel_loop3A_272] : memref<200x2x128xf32, #tpu.memory_space<vmem>>[vector<16xi32>, vector<16xi32>, vector<16xi32>], vector<16xf32>,
        %parallel_loop3A_280 = arith.constant 0 : i32
        %parallel_loop3A_281 = arith.index_cast %parallel_loop3A_207 : i32 to index
        %parallel_loop3A_282 = arith.index_cast %parallel_loop3A_280 : i32 to index
        %parallel_loop3A_283 = arith.constant 32 : index
        %parallel_loop3A_284 = tpu.vector_load %arg7[%parallel_loop3A_281, %parallel_loop3A_282, %parallel_loop3A_283] {strides = array<i32>} : memref<50x2x128xf32, #tpu.memory_space<vmem>>, vector<16xf32>,
        tpu.vector_store %arg7[%parallel_loop3A_281, %parallel_loop3A_282, %parallel_loop3A_283], %parallel_loop3A_279 {strides = array<i32>} : memref<50x2x128xf32, #tpu.memory_space<vmem>>, vector<16xf32>,
        %parallel_loop3A_285 = arith.constant 1 : i32
        %parallel_loop3A_286 = vector.broadcast %parallel_loop3A_285 : i32 to vector<16xi32>
        %parallel_loop3A_287 = arith.muli %parallel_loop3A_286, %broadcast_in_dim3A_110 : vector<16xi32>
        %parallel_loop3A_288 = arith.addi %parallel_loop3A_272, %parallel_loop3A_287 : vector<16xi32>
        %parallel_loop3A_289 = arith.constant 0 : i32
        %parallel_loop3A_290 = arith.constant 0 : i32
        %parallel_loop3A_291 = arith.constant 0 : i32
        %parallel_loop3A_292 = arith.constant 0 : i32
        %parallel_loop3A_293 = tpu.memref_slice %arg6[%parallel_loop3A_289, %parallel_loop3A_290, %parallel_loop3A_291, %parallel_loop3A_292] : memref<2x200x2x128xf32, #tpu.memory_space<vmem>> -> memref<1x200x2x128xf32, #tpu.memory_space<vmem>>
        %parallel_loop3A_294 = tpu.memref_squeeze %parallel_loop3A_293 : memref<1x200x2x128xf32, #tpu.memory_space<vmem>> -> memref<200x2x128xf32, #tpu.memory_space<vmem>>
        %parallel_loop3A_295 = tpu.vector_load_idx %parallel_loop3A_294[%broadcast_in_dim3A_106, %broadcast_in_dim3A_106, %parallel_loop3A_288] : memref<200x2x128xf32, #tpu.memory_space<vmem>>[vector<16xi32>, vector<16xi32>, vector<16xi32>], vector<16xf32>,
        %parallel_loop3A_296 = arith.constant 1 : i32
        %parallel_loop3A_297 = arith.index_cast %parallel_loop3A_207 : i32 to index
        %parallel_loop3A_298 = arith.index_cast %parallel_loop3A_296 : i32 to index
        %parallel_loop3A_299 = arith.constant 32 : index
        %parallel_loop3A_300 = tpu.vector_load %arg7[%parallel_loop3A_297, %parallel_loop3A_298, %parallel_loop3A_299] {strides = array<i32>} : memref<50x2x128xf32, #tpu.memory_space<vmem>>, vector<16xf32>,
        tpu.vector_store %arg7[%parallel_loop3A_297, %parallel_loop3A_298, %parallel_loop3A_299], %parallel_loop3A_295 {strides = array<i32>} : memref<50x2x128xf32, #tpu.memory_space<vmem>>, vector<16xf32>,
        %parallel_loop3A_301 = arith.index_cast %parallel_loop3A_207 : i32 to index
        %parallel_loop3A_302 = arith.constant 48 : index
        %parallel_loop3A_303 = tpu.vector_load %arg5[%parallel_loop3A_301, %parallel_loop3A_302] {strides = array<i32>} : memref<50x128xi32, #tpu.memory_space<vmem>>, vector<16xi32>,
        %parallel_loop3A_304 = arith.constant 0 : i32
        %parallel_loop3A_305 = arith.constant 0 : i32
        %parallel_loop3A_306 = arith.constant 0 : i32
        %parallel_loop3A_307 = arith.constant 0 : i32
        %parallel_loop3A_308 = tpu.memref_slice %arg6[%parallel_loop3A_304, %parallel_loop3A_305, %parallel_loop3A_306, %parallel_loop3A_307] : memref<2x200x2x128xf32, #tpu.memory_space<vmem>> -> memref<1x200x2x128xf32, #tpu.memory_space<vmem>>
        %parallel_loop3A_309 = tpu.memref_squeeze %parallel_loop3A_308 : memref<1x200x2x128xf32, #tpu.memory_space<vmem>> -> memref<200x2x128xf32, #tpu.memory_space<vmem>>
        %parallel_loop3A_310 = tpu.vector_load_idx %parallel_loop3A_309[%broadcast_in_dim3A_106, %broadcast_in_dim3A_106, %parallel_loop3A_303] : memref<200x2x128xf32, #tpu.memory_space<vmem>>[vector<16xi32>, vector<16xi32>, vector<16xi32>], vector<16xf32>,
        %parallel_loop3A_311 = arith.constant 0 : i32
        %parallel_loop3A_312 = arith.index_cast %parallel_loop3A_207 : i32 to index
        %parallel_loop3A_313 = arith.index_cast %parallel_loop3A_311 : i32 to index
        %parallel_loop3A_314 = arith.constant 48 : index
        %parallel_loop3A_315 = tpu.vector_load %arg7[%parallel_loop3A_312, %parallel_loop3A_313, %parallel_loop3A_314] {strides = array<i32>} : memref<50x2x128xf32, #tpu.memory_space<vmem>>, vector<16xf32>,
        tpu.vector_store %arg7[%parallel_loop3A_312, %parallel_loop3A_313, %parallel_loop3A_314], %parallel_loop3A_310 {strides = array<i32>} : memref<50x2x128xf32, #tpu.memory_space<vmem>>, vector<16xf32>,
        %parallel_loop3A_316 = arith.constant 1 : i32
        %parallel_loop3A_317 = vector.broadcast %parallel_loop3A_316 : i32 to vector<16xi32>
        %parallel_loop3A_318 = arith.muli %parallel_loop3A_317, %broadcast_in_dim3A_110 : vector<16xi32>
        %parallel_loop3A_319 = arith.addi %parallel_loop3A_303, %parallel_loop3A_318 : vector<16xi32>
        %parallel_loop3A_320 = arith.constant 0 : i32
        %parallel_loop3A_321 = arith.constant 0 : i32
        %parallel_loop3A_322 = arith.constant 0 : i32
        %parallel_loop3A_323 = arith.constant 0 : i32
        %parallel_loop3A_324 = tpu.memref_slice %arg6[%parallel_loop3A_320, %parallel_loop3A_321, %parallel_loop3A_322, %parallel_loop3A_323] : memref<2x200x2x128xf32, #tpu.memory_space<vmem>> -> memref<1x200x2x128xf32, #tpu.memory_space<vmem>>
        %parallel_loop3A_325 = tpu.memref_squeeze %parallel_loop3A_324 : memref<1x200x2x128xf32, #tpu.memory_space<vmem>> -> memref<200x2x128xf32, #tpu.memory_space<vmem>>
        %parallel_loop3A_326 = tpu.vector_load_idx %parallel_loop3A_325[%broadcast_in_dim3A_106, %broadcast_in_dim3A_106, %parallel_loop3A_319] : memref<200x2x128xf32, #tpu.memory_space<vmem>>[vector<16xi32>, vector<16xi32>, vector<16xi32>], vector<16xf32>,
        %parallel_loop3A_327 = arith.constant 1 : i32
        %parallel_loop3A_328 = arith.index_cast %parallel_loop3A_207 : i32 to index
        %parallel_loop3A_329 = arith.index_cast %parallel_loop3A_327 : i32 to index
        %parallel_loop3A_330 = arith.constant 48 : index
        %parallel_loop3A_331 = tpu.vector_load %arg7[%parallel_loop3A_328, %parallel_loop3A_329, %parallel_loop3A_330] {strides = array<i32>} : memref<50x2x128xf32, #tpu.memory_space<vmem>>, vector<16xf32>,
        tpu.vector_store %arg7[%parallel_loop3A_328, %parallel_loop3A_329, %parallel_loop3A_330], %parallel_loop3A_326 {strides = array<i32>} : memref<50x2x128xf32, #tpu.memory_space<vmem>>, vector<16xf32>,
        %parallel_loop3A_332 = arith.index_cast %parallel_loop3A_207 : i32 to index
        %parallel_loop3A_333 = arith.constant 64 : index
        %parallel_loop3A_334 = tpu.vector_load %arg5[%parallel_loop3A_332, %parallel_loop3A_333] {strides = array<i32>} : memref<50x128xi32, #tpu.memory_space<vmem>>, vector<16xi32>,
        %parallel_loop3A_335 = arith.constant 0 : i32
        %parallel_loop3A_336 = arith.constant 0 : i32
        %parallel_loop3A_337 = arith.constant 0 : i32
        %parallel_loop3A_338 = arith.constant 0 : i32
        %parallel_loop3A_339 = tpu.memref_slice %arg6[%parallel_loop3A_335, %parallel_loop3A_336, %parallel_loop3A_337, %parallel_loop3A_338] : memref<2x200x2x128xf32, #tpu.memory_space<vmem>> -> memref<1x200x2x128xf32, #tpu.memory_space<vmem>>
        %parallel_loop3A_340 = tpu.memref_squeeze %parallel_loop3A_339 : memref<1x200x2x128xf32, #tpu.memory_space<vmem>> -> memref<200x2x128xf32, #tpu.memory_space<vmem>>
        %parallel_loop3A_341 = tpu.vector_load_idx %parallel_loop3A_340[%broadcast_in_dim3A_106, %broadcast_in_dim3A_106, %parallel_loop3A_334] : memref<200x2x128xf32, #tpu.memory_space<vmem>>[vector<16xi32>, vector<16xi32>, vector<16xi32>], vector<16xf32>,
        %parallel_loop3A_342 = arith.constant 0 : i32
        %parallel_loop3A_343 = arith.index_cast %parallel_loop3A_207 : i32 to index
        %parallel_loop3A_344 = arith.index_cast %parallel_loop3A_342 : i32 to index
        %parallel_loop3A_345 = arith.constant 64 : index
        %parallel_loop3A_346 = tpu.vector_load %arg7[%parallel_loop3A_343, %parallel_loop3A_344, %parallel_loop3A_345] {strides = array<i32>} : memref<50x2x128xf32, #tpu.memory_space<vmem>>, vector<16xf32>,
        tpu.vector_store %arg7[%parallel_loop3A_343, %parallel_loop3A_344, %parallel_loop3A_345], %parallel_loop3A_341 {strides = array<i32>} : memref<50x2x128xf32, #tpu.memory_space<vmem>>, vector<16xf32>,
        %parallel_loop3A_347 = arith.constant 1 : i32
        %parallel_loop3A_348 = vector.broadcast %parallel_loop3A_347 : i32 to vector<16xi32>
        %parallel_loop3A_349 = arith.muli %parallel_loop3A_348, %broadcast_in_dim3A_110 : vector<16xi32>
        %parallel_loop3A_350 = arith.addi %parallel_loop3A_334, %parallel_loop3A_349 : vector<16xi32>
        %parallel_loop3A_351 = arith.constant 0 : i32
        %parallel_loop3A_352 = arith.constant 0 : i32
        %parallel_loop3A_353 = arith.constant 0 : i32
        %parallel_loop3A_354 = arith.constant 0 : i32
        %parallel_loop3A_355 = tpu.memref_slice %arg6[%parallel_loop3A_351, %parallel_loop3A_352, %parallel_loop3A_353, %parallel_loop3A_354] : memref<2x200x2x128xf32, #tpu.memory_space<vmem>> -> memref<1x200x2x128xf32, #tpu.memory_space<vmem>>
        %parallel_loop3A_356 = tpu.memref_squeeze %parallel_loop3A_355 : memref<1x200x2x128xf32, #tpu.memory_space<vmem>> -> memref<200x2x128xf32, #tpu.memory_space<vmem>>
        %parallel_loop3A_357 = tpu.vector_load_idx %parallel_loop3A_356[%broadcast_in_dim3A_106, %broadcast_in_dim3A_106, %parallel_loop3A_350] : memref<200x2x128xf32, #tpu.memory_space<vmem>>[vector<16xi32>, vector<16xi32>, vector<16xi32>], vector<16xf32>,
        %parallel_loop3A_358 = arith.constant 1 : i32
        %parallel_loop3A_359 = arith.index_cast %parallel_loop3A_207 : i32 to index
        %parallel_loop3A_360 = arith.index_cast %parallel_loop3A_358 : i32 to index
        %parallel_loop3A_361 = arith.constant 64 : index
        %parallel_loop3A_362 = tpu.vector_load %arg7[%parallel_loop3A_359, %parallel_loop3A_360, %parallel_loop3A_361] {strides = array<i32>} : memref<50x2x128xf32, #tpu.memory_space<vmem>>, vector<16xf32>,
        tpu.vector_store %arg7[%parallel_loop3A_359, %parallel_loop3A_360, %parallel_loop3A_361], %parallel_loop3A_357 {strides = array<i32>} : memref<50x2x128xf32, #tpu.memory_space<vmem>>, vector<16xf32>,
        %parallel_loop3A_363 = arith.index_cast %parallel_loop3A_207 : i32 to index
        %parallel_loop3A_364 = arith.constant 80 : index
        %parallel_loop3A_365 = tpu.vector_load %arg5[%parallel_loop3A_363, %parallel_loop3A_364] {strides = array<i32>} : memref<50x128xi32, #tpu.memory_space<vmem>>, vector<16xi32>,
        %parallel_loop3A_366 = arith.constant 0 : i32
        %parallel_loop3A_367 = arith.constant 0 : i32
        %parallel_loop3A_368 = arith.constant 0 : i32
        %parallel_loop3A_369 = arith.constant 0 : i32
        %parallel_loop3A_370 = tpu.memref_slice %arg6[%parallel_loop3A_366, %parallel_loop3A_367, %parallel_loop3A_368, %parallel_loop3A_369] : memref<2x200x2x128xf32, #tpu.memory_space<vmem>> -> memref<1x200x2x128xf32, #tpu.memory_space<vmem>>
        %parallel_loop3A_371 = tpu.memref_squeeze %parallel_loop3A_370 : memref<1x200x2x128xf32, #tpu.memory_space<vmem>> -> memref<200x2x128xf32, #tpu.memory_space<vmem>>
        %parallel_loop3A_372 = tpu.vector_load_idx %parallel_loop3A_371[%broadcast_in_dim3A_106, %broadcast_in_dim3A_106, %parallel_loop3A_365] : memref<200x2x128xf32, #tpu.memory_space<vmem>>[vector<16xi32>, vector<16xi32>, vector<16xi32>], vector<16xf32>,
        %parallel_loop3A_373 = arith.constant 0 : i32
        %parallel_loop3A_374 = arith.index_cast %parallel_loop3A_207 : i32 to index
        %parallel_loop3A_375 = arith.index_cast %parallel_loop3A_373 : i32 to index
        %parallel_loop3A_376 = arith.constant 80 : index
        %parallel_loop3A_377 = tpu.vector_load %arg7[%parallel_loop3A_374, %parallel_loop3A_375, %parallel_loop3A_376] {strides = array<i32>} : memref<50x2x128xf32, #tpu.memory_space<vmem>>, vector<16xf32>,
        tpu.vector_store %arg7[%parallel_loop3A_374, %parallel_loop3A_375, %parallel_loop3A_376], %parallel_loop3A_372 {strides = array<i32>} : memref<50x2x128xf32, #tpu.memory_space<vmem>>, vector<16xf32>,
        %parallel_loop3A_378 = arith.constant 1 : i32
        %parallel_loop3A_379 = vector.broadcast %parallel_loop3A_378 : i32 to vector<16xi32>
        %parallel_loop3A_380 = arith.muli %parallel_loop3A_379, %broadcast_in_dim3A_110 : vector<16xi32>
        %parallel_loop3A_381 = arith.addi %parallel_loop3A_365, %parallel_loop3A_380 : vector<16xi32>
        %parallel_loop3A_382 = arith.constant 0 : i32
        %parallel_loop3A_383 = arith.constant 0 : i32
        %parallel_loop3A_384 = arith.constant 0 : i32
        %parallel_loop3A_385 = arith.constant 0 : i32
        %parallel_loop3A_386 = tpu.memref_slice %arg6[%parallel_loop3A_382, %parallel_loop3A_383, %parallel_loop3A_384, %parallel_loop3A_385] : memref<2x200x2x128xf32, #tpu.memory_space<vmem>> -> memref<1x200x2x128xf32, #tpu.memory_space<vmem>>
        %parallel_loop3A_387 = tpu.memref_squeeze %parallel_loop3A_386 : memref<1x200x2x128xf32, #tpu.memory_space<vmem>> -> memref<200x2x128xf32, #tpu.memory_space<vmem>>
        %parallel_loop3A_388 = tpu.vector_load_idx %parallel_loop3A_387[%broadcast_in_dim3A_106, %broadcast_in_dim3A_106, %parallel_loop3A_381] : memref<200x2x128xf32, #tpu.memory_space<vmem>>[vector<16xi32>, vector<16xi32>, vector<16xi32>], vector<16xf32>,
        %parallel_loop3A_389 = arith.constant 1 : i32
        %parallel_loop3A_390 = arith.index_cast %parallel_loop3A_207 : i32 to index
        %parallel_loop3A_391 = arith.index_cast %parallel_loop3A_389 : i32 to index
        %parallel_loop3A_392 = arith.constant 80 : index
        %parallel_loop3A_393 = tpu.vector_load %arg7[%parallel_loop3A_390, %parallel_loop3A_391, %parallel_loop3A_392] {strides = array<i32>} : memref<50x2x128xf32, #tpu.memory_space<vmem>>, vector<16xf32>,
        tpu.vector_store %arg7[%parallel_loop3A_390, %parallel_loop3A_391, %parallel_loop3A_392], %parallel_loop3A_388 {strides = array<i32>} : memref<50x2x128xf32, #tpu.memory_space<vmem>>, vector<16xf32>,
        %parallel_loop3A_394 = arith.index_cast %parallel_loop3A_207 : i32 to index
        %parallel_loop3A_395 = arith.constant 96 : index
        %parallel_loop3A_396 = tpu.vector_load %arg5[%parallel_loop3A_394, %parallel_loop3A_395] {strides = array<i32>} : memref<50x128xi32, #tpu.memory_space<vmem>>, vector<16xi32>,
        %parallel_loop3A_397 = arith.constant 0 : i32
        %parallel_loop3A_398 = arith.constant 0 : i32
        %parallel_loop3A_399 = arith.constant 0 : i32
        %parallel_loop3A_400 = arith.constant 0 : i32
        %parallel_loop3A_401 = tpu.memref_slice %arg6[%parallel_loop3A_397, %parallel_loop3A_398, %parallel_loop3A_399, %parallel_loop3A_400] : memref<2x200x2x128xf32, #tpu.memory_space<vmem>> -> memref<1x200x2x128xf32, #tpu.memory_space<vmem>>
        %parallel_loop3A_402 = tpu.memref_squeeze %parallel_loop3A_401 : memref<1x200x2x128xf32, #tpu.memory_space<vmem>> -> memref<200x2x128xf32, #tpu.memory_space<vmem>>
        %parallel_loop3A_403 = tpu.vector_load_idx %parallel_loop3A_402[%broadcast_in_dim3A_106, %broadcast_in_dim3A_106, %parallel_loop3A_396] : memref<200x2x128xf32, #tpu.memory_space<vmem>>[vector<16xi32>, vector<16xi32>, vector<16xi32>], vector<16xf32>,
        %parallel_loop3A_404 = arith.constant 0 : i32
        %parallel_loop3A_405 = arith.index_cast %parallel_loop3A_207 : i32 to index
        %parallel_loop3A_406 = arith.index_cast %parallel_loop3A_404 : i32 to index
        %parallel_loop3A_407 = arith.constant 96 : index
        %parallel_loop3A_408 = tpu.vector_load %arg7[%parallel_loop3A_405, %parallel_loop3A_406, %parallel_loop3A_407] {strides = array<i32>} : memref<50x2x128xf32, #tpu.memory_space<vmem>>, vector<16xf32>,
        tpu.vector_store %arg7[%parallel_loop3A_405, %parallel_loop3A_406, %parallel_loop3A_407], %parallel_loop3A_403 {strides = array<i32>} : memref<50x2x128xf32, #tpu.memory_space<vmem>>, vector<16xf32>,
        %parallel_loop3A_409 = arith.constant 1 : i32
        %parallel_loop3A_410 = vector.broadcast %parallel_loop3A_409 : i32 to vector<16xi32>
        %parallel_loop3A_411 = arith.muli %parallel_loop3A_410, %broadcast_in_dim3A_110 : vector<16xi32>
        %parallel_loop3A_412 = arith.addi %parallel_loop3A_396, %parallel_loop3A_411 : vector<16xi32>
        %parallel_loop3A_413 = arith.constant 0 : i32
        %parallel_loop3A_414 = arith.constant 0 : i32
        %parallel_loop3A_415 = arith.constant 0 : i32
        %parallel_loop3A_416 = arith.constant 0 : i32
        %parallel_loop3A_417 = tpu.memref_slice %arg6[%parallel_loop3A_413, %parallel_loop3A_414, %parallel_loop3A_415, %parallel_loop3A_416] : memref<2x200x2x128xf32, #tpu.memory_space<vmem>> -> memref<1x200x2x128xf32, #tpu.memory_space<vmem>>
        %parallel_loop3A_418 = tpu.memref_squeeze %parallel_loop3A_417 : memref<1x200x2x128xf32, #tpu.memory_space<vmem>> -> memref<200x2x128xf32, #tpu.memory_space<vmem>>
        %parallel_loop3A_419 = tpu.vector_load_idx %parallel_loop3A_418[%broadcast_in_dim3A_106, %broadcast_in_dim3A_106, %parallel_loop3A_412] : memref<200x2x128xf32, #tpu.memory_space<vmem>>[vector<16xi32>, vector<16xi32>, vector<16xi32>], vector<16xf32>,
        %parallel_loop3A_420 = arith.constant 1 : i32
        %parallel_loop3A_421 = arith.index_cast %parallel_loop3A_207 : i32 to index
        %parallel_loop3A_422 = arith.index_cast %parallel_loop3A_420 : i32 to index
        %parallel_loop3A_423 = arith.constant 96 : index
        %parallel_loop3A_424 = tpu.vector_load %arg7[%parallel_loop3A_421, %parallel_loop3A_422, %parallel_loop3A_423] {strides = array<i32>} : memref<50x2x128xf32, #tpu.memory_space<vmem>>, vector<16xf32>,
        tpu.vector_store %arg7[%parallel_loop3A_421, %parallel_loop3A_422, %parallel_loop3A_423], %parallel_loop3A_419 {strides = array<i32>} : memref<50x2x128xf32, #tpu.memory_space<vmem>>, vector<16xf32>,
        %parallel_loop3A_425 = arith.index_cast %parallel_loop3A_207 : i32 to index
        %parallel_loop3A_426 = arith.constant 112 : index
        %parallel_loop3A_427 = tpu.vector_load %arg5[%parallel_loop3A_425, %parallel_loop3A_426] {strides = array<i32>} : memref<50x128xi32, #tpu.memory_space<vmem>>, vector<16xi32>,
        %parallel_loop3A_428 = arith.constant 0 : i32
        %parallel_loop3A_429 = arith.constant 0 : i32
        %parallel_loop3A_430 = arith.constant 0 : i32
        %parallel_loop3A_431 = arith.constant 0 : i32
        %parallel_loop3A_432 = tpu.memref_slice %arg6[%parallel_loop3A_428, %parallel_loop3A_429, %parallel_loop3A_430, %parallel_loop3A_431] : memref<2x200x2x128xf32, #tpu.memory_space<vmem>> -> memref<1x200x2x128xf32, #tpu.memory_space<vmem>>
        %parallel_loop3A_433 = tpu.memref_squeeze %parallel_loop3A_432 : memref<1x200x2x128xf32, #tpu.memory_space<vmem>> -> memref<200x2x128xf32, #tpu.memory_space<vmem>>
        %parallel_loop3A_434 = tpu.vector_load_idx %parallel_loop3A_433[%broadcast_in_dim3A_106, %broadcast_in_dim3A_106, %parallel_loop3A_427] : memref<200x2x128xf32, #tpu.memory_space<vmem>>[vector<16xi32>, vector<16xi32>, vector<16xi32>], vector<16xf32>,
        %parallel_loop3A_435 = arith.constant 0 : i32
        %parallel_loop3A_436 = arith.index_cast %parallel_loop3A_207 : i32 to index
        %parallel_loop3A_437 = arith.index_cast %parallel_loop3A_435 : i32 to index
        %parallel_loop3A_438 = arith.constant 112 : index
        %parallel_loop3A_439 = tpu.vector_load %arg7[%parallel_loop3A_436, %parallel_loop3A_437, %parallel_loop3A_438] {strides = array<i32>} : memref<50x2x128xf32, #tpu.memory_space<vmem>>, vector<16xf32>,
        tpu.vector_store %arg7[%parallel_loop3A_436, %parallel_loop3A_437, %parallel_loop3A_438], %parallel_loop3A_434 {strides = array<i32>} : memref<50x2x128xf32, #tpu.memory_space<vmem>>, vector<16xf32>,
        %parallel_loop3A_440 = arith.constant 1 : i32
        %parallel_loop3A_441 = vector.broadcast %parallel_loop3A_440 : i32 to vector<16xi32>
        %parallel_loop3A_442 = arith.muli %parallel_loop3A_441, %broadcast_in_dim3A_110 : vector<16xi32>
        %parallel_loop3A_443 = arith.addi %parallel_loop3A_427, %parallel_loop3A_442 : vector<16xi32>
        %parallel_loop3A_444 = arith.constant 0 : i32
        %parallel_loop3A_445 = arith.constant 0 : i32
        %parallel_loop3A_446 = arith.constant 0 : i32
        %parallel_loop3A_447 = arith.constant 0 : i32
        %parallel_loop3A_448 = tpu.memref_slice %arg6[%parallel_loop3A_444, %parallel_loop3A_445, %parallel_loop3A_446, %parallel_loop3A_447] : memref<2x200x2x128xf32, #tpu.memory_space<vmem>> -> memref<1x200x2x128xf32, #tpu.memory_space<vmem>>
        %parallel_loop3A_449 = tpu.memref_squeeze %parallel_loop3A_448 : memref<1x200x2x128xf32, #tpu.memory_space<vmem>> -> memref<200x2x128xf32, #tpu.memory_space<vmem>>
        %parallel_loop3A_450 = tpu.vector_load_idx %parallel_loop3A_449[%broadcast_in_dim3A_106, %broadcast_in_dim3A_106, %parallel_loop3A_443] : memref<200x2x128xf32, #tpu.memory_space<vmem>>[vector<16xi32>, vector<16xi32>, vector<16xi32>], vector<16xf32>,
        %parallel_loop3A_451 = arith.constant 1 : i32
        %parallel_loop3A_452 = arith.index_cast %parallel_loop3A_207 : i32 to index
        %parallel_loop3A_453 = arith.index_cast %parallel_loop3A_451 : i32 to index
        %parallel_loop3A_454 = arith.constant 112 : index
        %parallel_loop3A_455 = tpu.vector_load %arg7[%parallel_loop3A_452, %parallel_loop3A_453, %parallel_loop3A_454] {strides = array<i32>} : memref<50x2x128xf32, #tpu.memory_space<vmem>>, vector<16xf32>,
        tpu.vector_store %arg7[%parallel_loop3A_452, %parallel_loop3A_453, %parallel_loop3A_454], %parallel_loop3A_450 {strides = array<i32>} : memref<50x2x128xf32, #tpu.memory_space<vmem>>, vector<16xf32>,
      } {sc.loop_unroll_factor = 4 : i64, sc.parallel_access}
      %mul3A_150 = arith.constant 2 : i32
      %mul3A_151 = arith.muli %mul3A_124, %mul3A_150 : i32
      %dma_start3A_152 = arith.constant 0 : i32
      %dma_start3A_153 = tpu.memref_slice %arg4[%dma_start3A_152, %mul3A_151, %mul3A_2] : memref<50x64x4096xf32, #tpu.memory_space<hbm>> -> memref<50x2x128xf32, #tpu.memory_space<hbm>>
      %dma_start3A_154 = arith.constant 0 : i32
      %dma_start3A_155 = tpu.memref_slice %arg4[%dma_start3A_154, %mul3A_151, %mul3A_2] : memref<50x64x4096xf32, #tpu.memory_space<hbm>> -> memref<50x2x128xf32, #tpu.memory_space<hbm>>
      tpu.enqueue_dma source(%arg7 : memref<50x2x128xf32, #tpu.memory_space<vmem>>) target(%dma_start3A_155 : memref<50x2x128xf32, #tpu.memory_space<hbm>>) target_semaphore(%arg9 : memref<!tpu.dma_semaphore, #tpu.memory_space<semaphore_mem>>)
      %add3A_156 = arith.constant 2 : i32
      %add3A_157 = arith.addi %mul3A_124, %add3A_156 : i32
      %lt3A = arith.constant 32 : i32
      %lt3A_158 = arith.cmpi slt, %add3A_157, %lt3A : i32
      %convert_element_type3A_159 = arith.extui %lt3A_158 : i1 to i32
      %cond3A_160 = arith.constant 0 : i32
      %cond3A_161 = arith.cmpi ne, %convert_element_type3A_159, %cond3A_160 : i32
      scf.if %cond3A_161 {
        %add3A_207 = arith.constant 2 : i32
        %add3A_208 = arith.addi %mul3A_124, %add3A_207 : i32
        %mul3A_209 = arith.constant 2 : i32
        %mul3A_210 = arith.muli %add3A_208, %mul3A_209 : i32
        %dma_start3A_211 = arith.constant 0 : i32
        %dma_start3A_212 = arith.constant 0 : i32
        %dma_start3A_213 = arith.constant 0 : i32
        %dma_start3A_214 = arith.constant 0 : i32
        %dma_start3A_215 = arith.constant 0 : i32
        %dma_start3A_216 = tpu.memref_slice %arg6[%dma_start3A_211, %dma_start3A_213, %dma_start3A_214, %dma_start3A_215] : memref<2x200x2x128xf32, #tpu.memory_space<vmem>> -> memref<1x100x2x128xf32, #tpu.memory_space<vmem>>
        %dma_start3A_217 = tpu.memref_squeeze %dma_start3A_216 : memref<1x100x2x128xf32, #tpu.memory_space<vmem>> -> memref<100x2x128xf32, #tpu.memory_space<vmem>>
        %dma_start3A_218 = arith.constant 0 : i32
        %dma_start3A_219 = tpu.memref_slice %arg2[%dma_start3A_218, %mul3A_210, %mul3A_2] : memref<200x64x4096xf32, #tpu.memory_space<hbm>> -> memref<100x2x128xf32, #tpu.memory_space<hbm>>
        %dma_start3A_220 = tpu.memref_slice %arg8[%dma_start3A_212] : memref<2x!tpu.dma_semaphore, #tpu.memory_space<semaphore_mem>> -> memref<1x!tpu.dma_semaphore, #tpu.memory_space<semaphore_mem>>
        %dma_start3A_221 = tpu.memref_squeeze %dma_start3A_220 : memref<1x!tpu.dma_semaphore, #tpu.memory_space<semaphore_mem>> -> memref<!tpu.dma_semaphore, #tpu.memory_space<semaphore_mem>>
        %dma_start3A_222 = arith.constant 0 : i32
        %dma_start3A_223 = arith.constant 0 : i32
        %dma_start3A_224 = arith.constant 0 : i32
        %dma_start3A_225 = tpu.memref_slice %arg6[%dma_start3A_211, %dma_start3A_222, %dma_start3A_223, %dma_start3A_224] : memref<2x200x2x128xf32, #tpu.memory_space<vmem>> -> memref<1x100x2x128xf32, #tpu.memory_space<vmem>>
        %dma_start3A_226 = tpu.memref_squeeze %dma_start3A_225 : memref<1x100x2x128xf32, #tpu.memory_space<vmem>> -> memref<100x2x128xf32, #tpu.memory_space<vmem>>
        %dma_start3A_227 = arith.constant 0 : i32
        %dma_start3A_228 = tpu.memref_slice %arg2[%dma_start3A_227, %mul3A_210, %mul3A_2] : memref<200x64x4096xf32, #tpu.memory_space<hbm>> -> memref<100x2x128xf32, #tpu.memory_space<hbm>>
        tpu.enqueue_dma source(%dma_start3A_228 : memref<100x2x128xf32, #tpu.memory_space<hbm>>) target(%dma_start3A_226 : memref<100x2x128xf32, #tpu.memory_space<vmem>>) target_semaphore(%dma_start3A_221 : memref<!tpu.dma_semaphore, #tpu.memory_space<semaphore_mem>>)
        %mul3A_229 = arith.constant 2 : i32
        %mul3A_230 = arith.muli %add3A_208, %mul3A_229 : i32
        %dma_start3A_231 = arith.constant 0 : i32
        %dma_start3A_232 = arith.constant 0 : i32
        %dma_start3A_233 = arith.constant 100 : i32
        %dma_start3A_234 = arith.constant 0 : i32
        %dma_start3A_235 = arith.constant 0 : i32
        %dma_start3A_236 = tpu.memref_slice %arg6[%dma_start3A_231, %dma_start3A_233, %dma_start3A_234, %dma_start3A_235] : memref<2x200x2x128xf32, #tpu.memory_space<vmem>> -> memref<1x100x2x128xf32, #tpu.memory_space<vmem>>
        %dma_start3A_237 = tpu.memref_squeeze %dma_start3A_236 : memref<1x100x2x128xf32, #tpu.memory_space<vmem>> -> memref<100x2x128xf32, #tpu.memory_space<vmem>>
        %dma_start3A_238 = arith.constant 100 : i32
        %dma_start3A_239 = tpu.memref_slice %arg2[%dma_start3A_238, %mul3A_230, %mul3A_2] : memref<200x64x4096xf32, #tpu.memory_space<hbm>> -> memref<100x2x128xf32, #tpu.memory_space<hbm>>
        %dma_start3A_240 = tpu.memref_slice %arg8[%dma_start3A_232] : memref<2x!tpu.dma_semaphore, #tpu.memory_space<semaphore_mem>> -> memref<1x!tpu.dma_semaphore, #tpu.memory_space<semaphore_mem>>
        %dma_start3A_241 = tpu.memref_squeeze %dma_start3A_240 : memref<1x!tpu.dma_semaphore, #tpu.memory_space<semaphore_mem>> -> memref<!tpu.dma_semaphore, #tpu.memory_space<semaphore_mem>>
        %dma_start3A_242 = arith.constant 100 : i32
        %dma_start3A_243 = arith.constant 0 : i32
        %dma_start3A_244 = arith.constant 0 : i32
        %dma_start3A_245 = tpu.memref_slice %arg6[%dma_start3A_231, %dma_start3A_242, %dma_start3A_243, %dma_start3A_244] : memref<2x200x2x128xf32, #tpu.memory_space<vmem>> -> memref<1x100x2x128xf32, #tpu.memory_space<vmem>>
        %dma_start3A_246 = tpu.memref_squeeze %dma_start3A_245 : memref<1x100x2x128xf32, #tpu.memory_space<vmem>> -> memref<100x2x128xf32, #tpu.memory_space<vmem>>
        %dma_start3A_247 = arith.constant 100 : i32
        %dma_start3A_248 = tpu.memref_slice %arg2[%dma_start3A_247, %mul3A_230, %mul3A_2] : memref<200x64x4096xf32, #tpu.memory_space<hbm>> -> memref<100x2x128xf32, #tpu.memory_space<hbm>>
        tpu.enqueue_dma source(%dma_start3A_248 : memref<100x2x128xf32, #tpu.memory_space<hbm>>) target(%dma_start3A_246 : memref<100x2x128xf32, #tpu.memory_space<vmem>>) target_semaphore(%dma_start3A_241 : memref<!tpu.dma_semaphore, #tpu.memory_space<semaphore_mem>>)
      } else {
      }
      %mul3A_162 = arith.constant 2 : i32
      %mul3A_163 = arith.muli %scan3A_122, %mul3A_162 : i32
      %add3A_164 = arith.constant 1 : i32
      %add3A_165 = arith.addi %mul3A_163, %add3A_164 : i32
      %dma_wait3A_166 = arith.constant 1 : i32
      %dma_wait3A_167 = arith.constant 1 : i32
      %dma_wait3A_168 = arith.constant 0 : i32
      %dma_wait3A_169 = arith.constant 0 : i32
      %dma_wait3A_170 = arith.constant 0 : i32
      %dma_wait3A_171 = tpu.memref_slice %arg6[%dma_wait3A_166, %dma_wait3A_168, %dma_wait3A_169, %dma_wait3A_170] : memref<2x200x2x128xf32, #tpu.memory_space<vmem>> -> memref<1x200x2x128xf32, #tpu.memory_space<vmem>>
      %dma_wait3A_172 = tpu.memref_squeeze %dma_wait3A_171 : memref<1x200x2x128xf32, #tpu.memory_space<vmem>> -> memref<200x2x128xf32, #tpu.memory_space<vmem>>
      %dma_wait3A_173 = arith.constant 0 : i32
      %dma_wait3A_174 = arith.constant 0 : i32
      %dma_wait3A_175 = tpu.memref_slice %arg2[%dma_wait3A_173, %dma_wait3A_174, %mul3A_2] : memref<200x64x4096xf32, #tpu.memory_space<hbm>> -> memref<200x2x128xf32, #tpu.memory_space<hbm>>
      %dma_wait3A_176 = tpu.memref_slice %arg8[%dma_wait3A_167] : memref<2x!tpu.dma_semaphore, #tpu.memory_space<semaphore_mem>> -> memref<1x!tpu.dma_semaphore, #tpu.memory_space<semaphore_mem>>
      %dma_wait3A_177 = tpu.memref_squeeze %dma_wait3A_176 : memref<1x!tpu.dma_semaphore, #tpu.memory_space<semaphore_mem>> -> memref<!tpu.dma_semaphore, #tpu.memory_space<semaphore_mem>>
      %dma_wait3A_178 = arith.constant 0 : i32
      %dma_wait3A_179 = arith.constant 0 : i32
      %dma_wait3A_180 = arith.constant 0 : i32
      %dma_wait3A_181 = tpu.memref_slice %arg6[%dma_wait3A_166, %dma_wait3A_178, %dma_wait3A_179, %dma_wait3A_180] : memref<2x200x2x128xf32, #tpu.memory_space<vmem>> -> memref<1x200x2x128xf32, #tpu.memory_space<vmem>>
      %dma_wait3A_182 = tpu.memref_squeeze %dma_wait3A_181 : memref<1x200x2x128xf32, #tpu.memory_space<vmem>> -> memref<200x2x128xf32, #tpu.memory_space<vmem>>
      %dma_wait3A_183 = arith.constant 0 : i32
      %dma_wait3A_184 = arith.constant 0 : i32
      %dma_wait3A_185 = tpu.memref_slice %arg2[%dma_wait3A_183, %dma_wait3A_184, %mul3A_2] : memref<200x64x4096xf32, #tpu.memory_space<hbm>> -> memref<200x2x128xf32, #tpu.memory_space<hbm>>
      tpu.wait_dma2 semaphore(%dma_wait3A_177 : memref<!tpu.dma_semaphore, #tpu.memory_space<semaphore_mem>>) src(%dma_wait3A_185 : memref<200x2x128xf32, #tpu.memory_space<hbm>>) dst(%dma_wait3A_182 : memref<200x2x128xf32, #tpu.memory_space<vmem>>)
      %gt3A_186 = arith.constant 0 : i32
      %gt3A_187 = arith.cmpi sgt, %add3A_165, %gt3A_186 : i32
      %convert_element_type3A_188 = arith.extui %gt3A_187 : i1 to i32
      %cond3A_189 = arith.constant 0 : i32
      %cond3A_190 = arith.cmpi ne, %convert_element_type3A_188, %cond3A_189 : i32
      scf.if %cond3A_190 {
        %dma_wait3A_207 = arith.constant 0 : i32
        %dma_wait3A_208 = arith.constant 0 : i32
        %dma_wait3A_209 = tpu.memref_slice %arg4[%dma_wait3A_207, %dma_wait3A_208, %mul3A_2] : memref<50x64x4096xf32, #tpu.memory_space<hbm>> -> memref<50x2x128xf32, #tpu.memory_space<hbm>>
        %dma_wait3A_210 = arith.constant 0 : i32
        %dma_wait3A_211 = arith.constant 0 : i32
        %dma_wait3A_212 = tpu.memref_slice %arg4[%dma_wait3A_210, %dma_wait3A_211, %mul3A_2] : memref<50x64x4096xf32, #tpu.memory_space<hbm>> -> memref<50x2x128xf32, #tpu.memory_space<hbm>>
        tpu.wait_dma2 semaphore(%arg9 : memref<!tpu.dma_semaphore, #tpu.memory_space<semaphore_mem>>) src(%arg7 : memref<50x2x128xf32, #tpu.memory_space<vmem>>) dst(%dma_wait3A_212 : memref<50x2x128xf32, #tpu.memory_space<hbm>>)
      } else {
      }
      %parallel_loop3A_191 = arith.constant 0 : i32
      %parallel_loop3A_192 = arith.constant 50 : i32
      %parallel_loop3A_193 = arith.constant 1 : i32
      scf.for %parallel_loop3A_207 = %parallel_loop3A_191 to %parallel_loop3A_192 step %parallel_loop3A_193  : i32 {
        %parallel_loop3A_208 = arith.index_cast %parallel_loop3A_207 : i32 to index
        %parallel_loop3A_209 = arith.constant 0 : index
        %parallel_loop3A_210 = tpu.vector_load %arg5[%parallel_loop3A_208, %parallel_loop3A_209] {strides = array<i32>} : memref<50x128xi32, #tpu.memory_space<vmem>>, vector<16xi32>,
        %parallel_loop3A_211 = arith.constant 1 : i32
        %parallel_loop3A_212 = arith.constant 0 : i32
        %parallel_loop3A_213 = arith.constant 0 : i32
        %parallel_loop3A_214 = arith.constant 0 : i32
        %parallel_loop3A_215 = tpu.memref_slice %arg6[%parallel_loop3A_211, %parallel_loop3A_212, %parallel_loop3A_213, %parallel_loop3A_214] : memref<2x200x2x128xf32, #tpu.memory_space<vmem>> -> memref<1x200x2x128xf32, #tpu.memory_space<vmem>>
        %parallel_loop3A_216 = tpu.memref_squeeze %parallel_loop3A_215 : memref<1x200x2x128xf32, #tpu.memory_space<vmem>> -> memref<200x2x128xf32, #tpu.memory_space<vmem>>
        %parallel_loop3A_217 = tpu.vector_load_idx %parallel_loop3A_216[%broadcast_in_dim3A_106, %broadcast_in_dim3A_106, %parallel_loop3A_210] : memref<200x2x128xf32, #tpu.memory_space<vmem>>[vector<16xi32>, vector<16xi32>, vector<16xi32>], vector<16xf32>,
        %parallel_loop3A_218 = arith.constant 0 : i32
        %parallel_loop3A_219 = arith.index_cast %parallel_loop3A_207 : i32 to index
        %parallel_loop3A_220 = arith.index_cast %parallel_loop3A_218 : i32 to index
        %parallel_loop3A_221 = arith.constant 0 : index
        %parallel_loop3A_222 = tpu.vector_load %arg7[%parallel_loop3A_219, %parallel_loop3A_220, %parallel_loop3A_221] {strides = array<i32>} : memref<50x2x128xf32, #tpu.memory_space<vmem>>, vector<16xf32>,
        tpu.vector_store %arg7[%parallel_loop3A_219, %parallel_loop3A_220, %parallel_loop3A_221], %parallel_loop3A_217 {strides = array<i32>} : memref<50x2x128xf32, #tpu.memory_space<vmem>>, vector<16xf32>,
        %parallel_loop3A_223 = arith.constant 1 : i32
        %parallel_loop3A_224 = vector.broadcast %parallel_loop3A_223 : i32 to vector<16xi32>
        %parallel_loop3A_225 = arith.muli %parallel_loop3A_224, %broadcast_in_dim3A_110 : vector<16xi32>
        %parallel_loop3A_226 = arith.addi %parallel_loop3A_210, %parallel_loop3A_225 : vector<16xi32>
        %parallel_loop3A_227 = arith.constant 1 : i32
        %parallel_loop3A_228 = arith.constant 0 : i32
        %parallel_loop3A_229 = arith.constant 0 : i32
        %parallel_loop3A_230 = arith.constant 0 : i32
        %parallel_loop3A_231 = tpu.memref_slice %arg6[%parallel_loop3A_227, %parallel_loop3A_228, %parallel_loop3A_229, %parallel_loop3A_230] : memref<2x200x2x128xf32, #tpu.memory_space<vmem>> -> memref<1x200x2x128xf32, #tpu.memory_space<vmem>>
        %parallel_loop3A_232 = tpu.memref_squeeze %parallel_loop3A_231 : memref<1x200x2x128xf32, #tpu.memory_space<vmem>> -> memref<200x2x128xf32, #tpu.memory_space<vmem>>
        %parallel_loop3A_233 = tpu.vector_load_idx %parallel_loop3A_232[%broadcast_in_dim3A_106, %broadcast_in_dim3A_106, %parallel_loop3A_226] : memref<200x2x128xf32, #tpu.memory_space<vmem>>[vector<16xi32>, vector<16xi32>, vector<16xi32>], vector<16xf32>,
        %parallel_loop3A_234 = arith.constant 1 : i32
        %parallel_loop3A_235 = arith.index_cast %parallel_loop3A_207 : i32 to index
        %parallel_loop3A_236 = arith.index_cast %parallel_loop3A_234 : i32 to index
        %parallel_loop3A_237 = arith.constant 0 : index
        %parallel_loop3A_238 = tpu.vector_load %arg7[%parallel_loop3A_235, %parallel_loop3A_236, %parallel_loop3A_237] {strides = array<i32>} : memref<50x2x128xf32, #tpu.memory_space<vmem>>, vector<16xf32>,
        tpu.vector_store %arg7[%parallel_loop3A_235, %parallel_loop3A_236, %parallel_loop3A_237], %parallel_loop3A_233 {strides = array<i32>} : memref<50x2x128xf32, #tpu.memory_space<vmem>>, vector<16xf32>,
        %parallel_loop3A_239 = arith.index_cast %parallel_loop3A_207 : i32 to index
        %parallel_loop3A_240 = arith.constant 16 : index
        %parallel_loop3A_241 = tpu.vector_load %arg5[%parallel_loop3A_239, %parallel_loop3A_240] {strides = array<i32>} : memref<50x128xi32, #tpu.memory_space<vmem>>, vector<16xi32>,
        %parallel_loop3A_242 = arith.constant 1 : i32
        %parallel_loop3A_243 = arith.constant 0 : i32
        %parallel_loop3A_244 = arith.constant 0 : i32
        %parallel_loop3A_245 = arith.constant 0 : i32
        %parallel_loop3A_246 = tpu.memref_slice %arg6[%parallel_loop3A_242, %parallel_loop3A_243, %parallel_loop3A_244, %parallel_loop3A_245] : memref<2x200x2x128xf32, #tpu.memory_space<vmem>> -> memref<1x200x2x128xf32, #tpu.memory_space<vmem>>
        %parallel_loop3A_247 = tpu.memref_squeeze %parallel_loop3A_246 : memref<1x200x2x128xf32, #tpu.memory_space<vmem>> -> memref<200x2x128xf32, #tpu.memory_space<vmem>>
        %parallel_loop3A_248 = tpu.vector_load_idx %parallel_loop3A_247[%broadcast_in_dim3A_106, %broadcast_in_dim3A_106, %parallel_loop3A_241] : memref<200x2x128xf32, #tpu.memory_space<vmem>>[vector<16xi32>, vector<16xi32>, vector<16xi32>], vector<16xf32>,
        %parallel_loop3A_249 = arith.constant 0 : i32
        %parallel_loop3A_250 = arith.index_cast %parallel_loop3A_207 : i32 to index
        %parallel_loop3A_251 = arith.index_cast %parallel_loop3A_249 : i32 to index
        %parallel_loop3A_252 = arith.constant 16 : index
        %parallel_loop3A_253 = tpu.vector_load %arg7[%parallel_loop3A_250, %parallel_loop3A_251, %parallel_loop3A_252] {strides = array<i32>} : memref<50x2x128xf32, #tpu.memory_space<vmem>>, vector<16xf32>,
        tpu.vector_store %arg7[%parallel_loop3A_250, %parallel_loop3A_251, %parallel_loop3A_252], %parallel_loop3A_248 {strides = array<i32>} : memref<50x2x128xf32, #tpu.memory_space<vmem>>, vector<16xf32>,
        %parallel_loop3A_254 = arith.constant 1 : i32
        %parallel_loop3A_255 = vector.broadcast %parallel_loop3A_254 : i32 to vector<16xi32>
        %parallel_loop3A_256 = arith.muli %parallel_loop3A_255, %broadcast_in_dim3A_110 : vector<16xi32>
        %parallel_loop3A_257 = arith.addi %parallel_loop3A_241, %parallel_loop3A_256 : vector<16xi32>
        %parallel_loop3A_258 = arith.constant 1 : i32
        %parallel_loop3A_259 = arith.constant 0 : i32
        %parallel_loop3A_260 = arith.constant 0 : i32
        %parallel_loop3A_261 = arith.constant 0 : i32
        %parallel_loop3A_262 = tpu.memref_slice %arg6[%parallel_loop3A_258, %parallel_loop3A_259, %parallel_loop3A_260, %parallel_loop3A_261] : memref<2x200x2x128xf32, #tpu.memory_space<vmem>> -> memref<1x200x2x128xf32, #tpu.memory_space<vmem>>
        %parallel_loop3A_263 = tpu.memref_squeeze %parallel_loop3A_262 : memref<1x200x2x128xf32, #tpu.memory_space<vmem>> -> memref<200x2x128xf32, #tpu.memory_space<vmem>>
        %parallel_loop3A_264 = tpu.vector_load_idx %parallel_loop3A_263[%broadcast_in_dim3A_106, %broadcast_in_dim3A_106, %parallel_loop3A_257] : memref<200x2x128xf32, #tpu.memory_space<vmem>>[vector<16xi32>, vector<16xi32>, vector<16xi32>], vector<16xf32>,
        %parallel_loop3A_265 = arith.constant 1 : i32
        %parallel_loop3A_266 = arith.index_cast %parallel_loop3A_207 : i32 to index
        %parallel_loop3A_267 = arith.index_cast %parallel_loop3A_265 : i32 to index
        %parallel_loop3A_268 = arith.constant 16 : index
        %parallel_loop3A_269 = tpu.vector_load %arg7[%parallel_loop3A_266, %parallel_loop3A_267, %parallel_loop3A_268] {strides = array<i32>} : memref<50x2x128xf32, #tpu.memory_space<vmem>>, vector<16xf32>,
        tpu.vector_store %arg7[%parallel_loop3A_266, %parallel_loop3A_267, %parallel_loop3A_268], %parallel_loop3A_264 {strides = array<i32>} : memref<50x2x128xf32, #tpu.memory_space<vmem>>, vector<16xf32>,
        %parallel_loop3A_270 = arith.index_cast %parallel_loop3A_207 : i32 to index
        %parallel_loop3A_271 = arith.constant 32 : index
        %parallel_loop3A_272 = tpu.vector_load %arg5[%parallel_loop3A_270, %parallel_loop3A_271] {strides = array<i32>} : memref<50x128xi32, #tpu.memory_space<vmem>>, vector<16xi32>,
        %parallel_loop3A_273 = arith.constant 1 : i32
        %parallel_loop3A_274 = arith.constant 0 : i32
        %parallel_loop3A_275 = arith.constant 0 : i32
        %parallel_loop3A_276 = arith.constant 0 : i32
        %parallel_loop3A_277 = tpu.memref_slice %arg6[%parallel_loop3A_273, %parallel_loop3A_274, %parallel_loop3A_275, %parallel_loop3A_276] : memref<2x200x2x128xf32, #tpu.memory_space<vmem>> -> memref<1x200x2x128xf32, #tpu.memory_space<vmem>>
        %parallel_loop3A_278 = tpu.memref_squeeze %parallel_loop3A_277 : memref<1x200x2x128xf32, #tpu.memory_space<vmem>> -> memref<200x2x128xf32, #tpu.memory_space<vmem>>
        %parallel_loop3A_279 = tpu.vector_load_idx %parallel_loop3A_278[%broadcast_in_dim3A_106, %broadcast_in_dim3A_106, %parallel_loop3A_272] : memref<200x2x128xf32, #tpu.memory_space<vmem>>[vector<16xi32>, vector<16xi32>, vector<16xi32>], vector<16xf32>,
        %parallel_loop3A_280 = arith.constant 0 : i32
        %parallel_loop3A_281 = arith.index_cast %parallel_loop3A_207 : i32 to index
        %parallel_loop3A_282 = arith.index_cast %parallel_loop3A_280 : i32 to index
        %parallel_loop3A_283 = arith.constant 32 : index
        %parallel_loop3A_284 = tpu.vector_load %arg7[%parallel_loop3A_281, %parallel_loop3A_282, %parallel_loop3A_283] {strides = array<i32>} : memref<50x2x128xf32, #tpu.memory_space<vmem>>, vector<16xf32>,
        tpu.vector_store %arg7[%parallel_loop3A_281, %parallel_loop3A_282, %parallel_loop3A_283], %parallel_loop3A_279 {strides = array<i32>} : memref<50x2x128xf32, #tpu.memory_space<vmem>>, vector<16xf32>,
        %parallel_loop3A_285 = arith.constant 1 : i32
        %parallel_loop3A_286 = vector.broadcast %parallel_loop3A_285 : i32 to vector<16xi32>
        %parallel_loop3A_287 = arith.muli %parallel_loop3A_286, %broadcast_in_dim3A_110 : vector<16xi32>
        %parallel_loop3A_288 = arith.addi %parallel_loop3A_272, %parallel_loop3A_287 : vector<16xi32>
        %parallel_loop3A_289 = arith.constant 1 : i32
        %parallel_loop3A_290 = arith.constant 0 : i32
        %parallel_loop3A_291 = arith.constant 0 : i32
        %parallel_loop3A_292 = arith.constant 0 : i32
        %parallel_loop3A_293 = tpu.memref_slice %arg6[%parallel_loop3A_289, %parallel_loop3A_290, %parallel_loop3A_291, %parallel_loop3A_292] : memref<2x200x2x128xf32, #tpu.memory_space<vmem>> -> memref<1x200x2x128xf32, #tpu.memory_space<vmem>>
        %parallel_loop3A_294 = tpu.memref_squeeze %parallel_loop3A_293 : memref<1x200x2x128xf32, #tpu.memory_space<vmem>> -> memref<200x2x128xf32, #tpu.memory_space<vmem>>
        %parallel_loop3A_295 = tpu.vector_load_idx %parallel_loop3A_294[%broadcast_in_dim3A_106, %broadcast_in_dim3A_106, %parallel_loop3A_288] : memref<200x2x128xf32, #tpu.memory_space<vmem>>[vector<16xi32>, vector<16xi32>, vector<16xi32>], vector<16xf32>,
        %parallel_loop3A_296 = arith.constant 1 : i32
        %parallel_loop3A_297 = arith.index_cast %parallel_loop3A_207 : i32 to index
        %parallel_loop3A_298 = arith.index_cast %parallel_loop3A_296 : i32 to index
        %parallel_loop3A_299 = arith.constant 32 : index
        %parallel_loop3A_300 = tpu.vector_load %arg7[%parallel_loop3A_297, %parallel_loop3A_298, %parallel_loop3A_299] {strides = array<i32>} : memref<50x2x128xf32, #tpu.memory_space<vmem>>, vector<16xf32>,
        tpu.vector_store %arg7[%parallel_loop3A_297, %parallel_loop3A_298, %parallel_loop3A_299], %parallel_loop3A_295 {strides = array<i32>} : memref<50x2x128xf32, #tpu.memory_space<vmem>>, vector<16xf32>,
        %parallel_loop3A_301 = arith.index_cast %parallel_loop3A_207 : i32 to index
        %parallel_loop3A_302 = arith.constant 48 : index
        %parallel_loop3A_303 = tpu.vector_load %arg5[%parallel_loop3A_301, %parallel_loop3A_302] {strides = array<i32>} : memref<50x128xi32, #tpu.memory_space<vmem>>, vector<16xi32>,
        %parallel_loop3A_304 = arith.constant 1 : i32
        %parallel_loop3A_305 = arith.constant 0 : i32
        %parallel_loop3A_306 = arith.constant 0 : i32
        %parallel_loop3A_307 = arith.constant 0 : i32
        %parallel_loop3A_308 = tpu.memref_slice %arg6[%parallel_loop3A_304, %parallel_loop3A_305, %parallel_loop3A_306, %parallel_loop3A_307] : memref<2x200x2x128xf32, #tpu.memory_space<vmem>> -> memref<1x200x2x128xf32, #tpu.memory_space<vmem>>
        %parallel_loop3A_309 = tpu.memref_squeeze %parallel_loop3A_308 : memref<1x200x2x128xf32, #tpu.memory_space<vmem>> -> memref<200x2x128xf32, #tpu.memory_space<vmem>>
        %parallel_loop3A_310 = tpu.vector_load_idx %parallel_loop3A_309[%broadcast_in_dim3A_106, %broadcast_in_dim3A_106, %parallel_loop3A_303] : memref<200x2x128xf32, #tpu.memory_space<vmem>>[vector<16xi32>, vector<16xi32>, vector<16xi32>], vector<16xf32>,
        %parallel_loop3A_311 = arith.constant 0 : i32
        %parallel_loop3A_312 = arith.index_cast %parallel_loop3A_207 : i32 to index
        %parallel_loop3A_313 = arith.index_cast %parallel_loop3A_311 : i32 to index
        %parallel_loop3A_314 = arith.constant 48 : index
        %parallel_loop3A_315 = tpu.vector_load %arg7[%parallel_loop3A_312, %parallel_loop3A_313, %parallel_loop3A_314] {strides = array<i32>} : memref<50x2x128xf32, #tpu.memory_space<vmem>>, vector<16xf32>,
        tpu.vector_store %arg7[%parallel_loop3A_312, %parallel_loop3A_313, %parallel_loop3A_314], %parallel_loop3A_310 {strides = array<i32>} : memref<50x2x128xf32, #tpu.memory_space<vmem>>, vector<16xf32>,
        %parallel_loop3A_316 = arith.constant 1 : i32
        %parallel_loop3A_317 = vector.broadcast %parallel_loop3A_316 : i32 to vector<16xi32>
        %parallel_loop3A_318 = arith.muli %parallel_loop3A_317, %broadcast_in_dim3A_110 : vector<16xi32>
        %parallel_loop3A_319 = arith.addi %parallel_loop3A_303, %parallel_loop3A_318 : vector<16xi32>
        %parallel_loop3A_320 = arith.constant 1 : i32
        %parallel_loop3A_321 = arith.constant 0 : i32
        %parallel_loop3A_322 = arith.constant 0 : i32
        %parallel_loop3A_323 = arith.constant 0 : i32
        %parallel_loop3A_324 = tpu.memref_slice %arg6[%parallel_loop3A_320, %parallel_loop3A_321, %parallel_loop3A_322, %parallel_loop3A_323] : memref<2x200x2x128xf32, #tpu.memory_space<vmem>> -> memref<1x200x2x128xf32, #tpu.memory_space<vmem>>
        %parallel_loop3A_325 = tpu.memref_squeeze %parallel_loop3A_324 : memref<1x200x2x128xf32, #tpu.memory_space<vmem>> -> memref<200x2x128xf32, #tpu.memory_space<vmem>>
        %parallel_loop3A_326 = tpu.vector_load_idx %parallel_loop3A_325[%broadcast_in_dim3A_106, %broadcast_in_dim3A_106, %parallel_loop3A_319] : memref<200x2x128xf32, #tpu.memory_space<vmem>>[vector<16xi32>, vector<16xi32>, vector<16xi32>], vector<16xf32>,
        %parallel_loop3A_327 = arith.constant 1 : i32
        %parallel_loop3A_328 = arith.index_cast %parallel_loop3A_207 : i32 to index
        %parallel_loop3A_329 = arith.index_cast %parallel_loop3A_327 : i32 to index
        %parallel_loop3A_330 = arith.constant 48 : index
        %parallel_loop3A_331 = tpu.vector_load %arg7[%parallel_loop3A_328, %parallel_loop3A_329, %parallel_loop3A_330] {strides = array<i32>} : memref<50x2x128xf32, #tpu.memory_space<vmem>>, vector<16xf32>,
        tpu.vector_store %arg7[%parallel_loop3A_328, %parallel_loop3A_329, %parallel_loop3A_330], %parallel_loop3A_326 {strides = array<i32>} : memref<50x2x128xf32, #tpu.memory_space<vmem>>, vector<16xf32>,
        %parallel_loop3A_332 = arith.index_cast %parallel_loop3A_207 : i32 to index
        %parallel_loop3A_333 = arith.constant 64 : index
        %parallel_loop3A_334 = tpu.vector_load %arg5[%parallel_loop3A_332, %parallel_loop3A_333] {strides = array<i32>} : memref<50x128xi32, #tpu.memory_space<vmem>>, vector<16xi32>,
        %parallel_loop3A_335 = arith.constant 1 : i32
        %parallel_loop3A_336 = arith.constant 0 : i32
        %parallel_loop3A_337 = arith.constant 0 : i32
        %parallel_loop3A_338 = arith.constant 0 : i32
        %parallel_loop3A_339 = tpu.memref_slice %arg6[%parallel_loop3A_335, %parallel_loop3A_336, %parallel_loop3A_337, %parallel_loop3A_338] : memref<2x200x2x128xf32, #tpu.memory_space<vmem>> -> memref<1x200x2x128xf32, #tpu.memory_space<vmem>>
        %parallel_loop3A_340 = tpu.memref_squeeze %parallel_loop3A_339 : memref<1x200x2x128xf32, #tpu.memory_space<vmem>> -> memref<200x2x128xf32, #tpu.memory_space<vmem>>
        %parallel_loop3A_341 = tpu.vector_load_idx %parallel_loop3A_340[%broadcast_in_dim3A_106, %broadcast_in_dim3A_106, %parallel_loop3A_334] : memref<200x2x128xf32, #tpu.memory_space<vmem>>[vector<16xi32>, vector<16xi32>, vector<16xi32>], vector<16xf32>,
        %parallel_loop3A_342 = arith.constant 0 : i32
        %parallel_loop3A_343 = arith.index_cast %parallel_loop3A_207 : i32 to index
        %parallel_loop3A_344 = arith.index_cast %parallel_loop3A_342 : i32 to index
        %parallel_loop3A_345 = arith.constant 64 : index
        %parallel_loop3A_346 = tpu.vector_load %arg7[%parallel_loop3A_343, %parallel_loop3A_344, %parallel_loop3A_345] {strides = array<i32>} : memref<50x2x128xf32, #tpu.memory_space<vmem>>, vector<16xf32>,
        tpu.vector_store %arg7[%parallel_loop3A_343, %parallel_loop3A_344, %parallel_loop3A_345], %parallel_loop3A_341 {strides = array<i32>} : memref<50x2x128xf32, #tpu.memory_space<vmem>>, vector<16xf32>,
        %parallel_loop3A_347 = arith.constant 1 : i32
        %parallel_loop3A_348 = vector.broadcast %parallel_loop3A_347 : i32 to vector<16xi32>
        %parallel_loop3A_349 = arith.muli %parallel_loop3A_348, %broadcast_in_dim3A_110 : vector<16xi32>
        %parallel_loop3A_350 = arith.addi %parallel_loop3A_334, %parallel_loop3A_349 : vector<16xi32>
        %parallel_loop3A_351 = arith.constant 1 : i32
        %parallel_loop3A_352 = arith.constant 0 : i32
        %parallel_loop3A_353 = arith.constant 0 : i32
        %parallel_loop3A_354 = arith.constant 0 : i32
        %parallel_loop3A_355 = tpu.memref_slice %arg6[%parallel_loop3A_351, %parallel_loop3A_352, %parallel_loop3A_353, %parallel_loop3A_354] : memref<2x200x2x128xf32, #tpu.memory_space<vmem>> -> memref<1x200x2x128xf32, #tpu.memory_space<vmem>>
        %parallel_loop3A_356 = tpu.memref_squeeze %parallel_loop3A_355 : memref<1x200x2x128xf32, #tpu.memory_space<vmem>> -> memref<200x2x128xf32, #tpu.memory_space<vmem>>
        %parallel_loop3A_357 = tpu.vector_load_idx %parallel_loop3A_356[%broadcast_in_dim3A_106, %broadcast_in_dim3A_106, %parallel_loop3A_350] : memref<200x2x128xf32, #tpu.memory_space<vmem>>[vector<16xi32>, vector<16xi32>, vector<16xi32>], vector<16xf32>,
        %parallel_loop3A_358 = arith.constant 1 : i32
        %parallel_loop3A_359 = arith.index_cast %parallel_loop3A_207 : i32 to index
        %parallel_loop3A_360 = arith.index_cast %parallel_loop3A_358 : i32 to index
        %parallel_loop3A_361 = arith.constant 64 : index
        %parallel_loop3A_362 = tpu.vector_load %arg7[%parallel_loop3A_359, %parallel_loop3A_360, %parallel_loop3A_361] {strides = array<i32>} : memref<50x2x128xf32, #tpu.memory_space<vmem>>, vector<16xf32>,
        tpu.vector_store %arg7[%parallel_loop3A_359, %parallel_loop3A_360, %parallel_loop3A_361], %parallel_loop3A_357 {strides = array<i32>} : memref<50x2x128xf32, #tpu.memory_space<vmem>>, vector<16xf32>,
        %parallel_loop3A_363 = arith.index_cast %parallel_loop3A_207 : i32 to index
        %parallel_loop3A_364 = arith.constant 80 : index
        %parallel_loop3A_365 = tpu.vector_load %arg5[%parallel_loop3A_363, %parallel_loop3A_364] {strides = array<i32>} : memref<50x128xi32, #tpu.memory_space<vmem>>, vector<16xi32>,
        %parallel_loop3A_366 = arith.constant 1 : i32
        %parallel_loop3A_367 = arith.constant 0 : i32
        %parallel_loop3A_368 = arith.constant 0 : i32
        %parallel_loop3A_369 = arith.constant 0 : i32
        %parallel_loop3A_370 = tpu.memref_slice %arg6[%parallel_loop3A_366, %parallel_loop3A_367, %parallel_loop3A_368, %parallel_loop3A_369] : memref<2x200x2x128xf32, #tpu.memory_space<vmem>> -> memref<1x200x2x128xf32, #tpu.memory_space<vmem>>
        %parallel_loop3A_371 = tpu.memref_squeeze %parallel_loop3A_370 : memref<1x200x2x128xf32, #tpu.memory_space<vmem>> -> memref<200x2x128xf32, #tpu.memory_space<vmem>>
        %parallel_loop3A_372 = tpu.vector_load_idx %parallel_loop3A_371[%broadcast_in_dim3A_106, %broadcast_in_dim3A_106, %parallel_loop3A_365] : memref<200x2x128xf32, #tpu.memory_space<vmem>>[vector<16xi32>, vector<16xi32>, vector<16xi32>], vector<16xf32>,
        %parallel_loop3A_373 = arith.constant 0 : i32
        %parallel_loop3A_374 = arith.index_cast %parallel_loop3A_207 : i32 to index
        %parallel_loop3A_375 = arith.index_cast %parallel_loop3A_373 : i32 to index
        %parallel_loop3A_376 = arith.constant 80 : index
        %parallel_loop3A_377 = tpu.vector_load %arg7[%parallel_loop3A_374, %parallel_loop3A_375, %parallel_loop3A_376] {strides = array<i32>} : memref<50x2x128xf32, #tpu.memory_space<vmem>>, vector<16xf32>,
        tpu.vector_store %arg7[%parallel_loop3A_374, %parallel_loop3A_375, %parallel_loop3A_376], %parallel_loop3A_372 {strides = array<i32>} : memref<50x2x128xf32, #tpu.memory_space<vmem>>, vector<16xf32>,
        %parallel_loop3A_378 = arith.constant 1 : i32
        %parallel_loop3A_379 = vector.broadcast %parallel_loop3A_378 : i32 to vector<16xi32>
        %parallel_loop3A_380 = arith.muli %parallel_loop3A_379, %broadcast_in_dim3A_110 : vector<16xi32>
        %parallel_loop3A_381 = arith.addi %parallel_loop3A_365, %parallel_loop3A_380 : vector<16xi32>
        %parallel_loop3A_382 = arith.constant 1 : i32
        %parallel_loop3A_383 = arith.constant 0 : i32
        %parallel_loop3A_384 = arith.constant 0 : i32
        %parallel_loop3A_385 = arith.constant 0 : i32
        %parallel_loop3A_386 = tpu.memref_slice %arg6[%parallel_loop3A_382, %parallel_loop3A_383, %parallel_loop3A_384, %parallel_loop3A_385] : memref<2x200x2x128xf32, #tpu.memory_space<vmem>> -> memref<1x200x2x128xf32, #tpu.memory_space<vmem>>
        %parallel_loop3A_387 = tpu.memref_squeeze %parallel_loop3A_386 : memref<1x200x2x128xf32, #tpu.memory_space<vmem>> -> memref<200x2x128xf32, #tpu.memory_space<vmem>>
        %parallel_loop3A_388 = tpu.vector_load_idx %parallel_loop3A_387[%broadcast_in_dim3A_106, %broadcast_in_dim3A_106, %parallel_loop3A_381] : memref<200x2x128xf32, #tpu.memory_space<vmem>>[vector<16xi32>, vector<16xi32>, vector<16xi32>], vector<16xf32>,
        %parallel_loop3A_389 = arith.constant 1 : i32
        %parallel_loop3A_390 = arith.index_cast %parallel_loop3A_207 : i32 to index
        %parallel_loop3A_391 = arith.index_cast %parallel_loop3A_389 : i32 to index
        %parallel_loop3A_392 = arith.constant 80 : index
        %parallel_loop3A_393 = tpu.vector_load %arg7[%parallel_loop3A_390, %parallel_loop3A_391, %parallel_loop3A_392] {strides = array<i32>} : memref<50x2x128xf32, #tpu.memory_space<vmem>>, vector<16xf32>,
        tpu.vector_store %arg7[%parallel_loop3A_390, %parallel_loop3A_391, %parallel_loop3A_392], %parallel_loop3A_388 {strides = array<i32>} : memref<50x2x128xf32, #tpu.memory_space<vmem>>, vector<16xf32>,
        %parallel_loop3A_394 = arith.index_cast %parallel_loop3A_207 : i32 to index
        %parallel_loop3A_395 = arith.constant 96 : index
        %parallel_loop3A_396 = tpu.vector_load %arg5[%parallel_loop3A_394, %parallel_loop3A_395] {strides = array<i32>} : memref<50x128xi32, #tpu.memory_space<vmem>>, vector<16xi32>,
        %parallel_loop3A_397 = arith.constant 1 : i32
        %parallel_loop3A_398 = arith.constant 0 : i32
        %parallel_loop3A_399 = arith.constant 0 : i32
        %parallel_loop3A_400 = arith.constant 0 : i32
        %parallel_loop3A_401 = tpu.memref_slice %arg6[%parallel_loop3A_397, %parallel_loop3A_398, %parallel_loop3A_399, %parallel_loop3A_400] : memref<2x200x2x128xf32, #tpu.memory_space<vmem>> -> memref<1x200x2x128xf32, #tpu.memory_space<vmem>>
        %parallel_loop3A_402 = tpu.memref_squeeze %parallel_loop3A_401 : memref<1x200x2x128xf32, #tpu.memory_space<vmem>> -> memref<200x2x128xf32, #tpu.memory_space<vmem>>
        %parallel_loop3A_403 = tpu.vector_load_idx %parallel_loop3A_402[%broadcast_in_dim3A_106, %broadcast_in_dim3A_106, %parallel_loop3A_396] : memref<200x2x128xf32, #tpu.memory_space<vmem>>[vector<16xi32>, vector<16xi32>, vector<16xi32>], vector<16xf32>,
        %parallel_loop3A_404 = arith.constant 0 : i32
        %parallel_loop3A_405 = arith.index_cast %parallel_loop3A_207 : i32 to index
        %parallel_loop3A_406 = arith.index_cast %parallel_loop3A_404 : i32 to index
        %parallel_loop3A_407 = arith.constant 96 : index
        %parallel_loop3A_408 = tpu.vector_load %arg7[%parallel_loop3A_405, %parallel_loop3A_406, %parallel_loop3A_407] {strides = array<i32>} : memref<50x2x128xf32, #tpu.memory_space<vmem>>, vector<16xf32>,
        tpu.vector_store %arg7[%parallel_loop3A_405, %parallel_loop3A_406, %parallel_loop3A_407], %parallel_loop3A_403 {strides = array<i32>} : memref<50x2x128xf32, #tpu.memory_space<vmem>>, vector<16xf32>,
        %parallel_loop3A_409 = arith.constant 1 : i32
        %parallel_loop3A_410 = vector.broadcast %parallel_loop3A_409 : i32 to vector<16xi32>
        %parallel_loop3A_411 = arith.muli %parallel_loop3A_410, %broadcast_in_dim3A_110 : vector<16xi32>
        %parallel_loop3A_412 = arith.addi %parallel_loop3A_396, %parallel_loop3A_411 : vector<16xi32>
        %parallel_loop3A_413 = arith.constant 1 : i32
        %parallel_loop3A_414 = arith.constant 0 : i32
        %parallel_loop3A_415 = arith.constant 0 : i32
        %parallel_loop3A_416 = arith.constant 0 : i32
        %parallel_loop3A_417 = tpu.memref_slice %arg6[%parallel_loop3A_413, %parallel_loop3A_414, %parallel_loop3A_415, %parallel_loop3A_416] : memref<2x200x2x128xf32, #tpu.memory_space<vmem>> -> memref<1x200x2x128xf32, #tpu.memory_space<vmem>>
        %parallel_loop3A_418 = tpu.memref_squeeze %parallel_loop3A_417 : memref<1x200x2x128xf32, #tpu.memory_space<vmem>> -> memref<200x2x128xf32, #tpu.memory_space<vmem>>
        %parallel_loop3A_419 = tpu.vector_load_idx %parallel_loop3A_418[%broadcast_in_dim3A_106, %broadcast_in_dim3A_106, %parallel_loop3A_412] : memref<200x2x128xf32, #tpu.memory_space<vmem>>[vector<16xi32>, vector<16xi32>, vector<16xi32>], vector<16xf32>,
        %parallel_loop3A_420 = arith.constant 1 : i32
        %parallel_loop3A_421 = arith.index_cast %parallel_loop3A_207 : i32 to index
        %parallel_loop3A_422 = arith.index_cast %parallel_loop3A_420 : i32 to index
        %parallel_loop3A_423 = arith.constant 96 : index
        %parallel_loop3A_424 = tpu.vector_load %arg7[%parallel_loop3A_421, %parallel_loop3A_422, %parallel_loop3A_423] {strides = array<i32>} : memref<50x2x128xf32, #tpu.memory_space<vmem>>, vector<16xf32>,
        tpu.vector_store %arg7[%parallel_loop3A_421, %parallel_loop3A_422, %parallel_loop3A_423], %parallel_loop3A_419 {strides = array<i32>} : memref<50x2x128xf32, #tpu.memory_space<vmem>>, vector<16xf32>,
        %parallel_loop3A_425 = arith.index_cast %parallel_loop3A_207 : i32 to index
        %parallel_loop3A_426 = arith.constant 112 : index
        %parallel_loop3A_427 = tpu.vector_load %arg5[%parallel_loop3A_425, %parallel_loop3A_426] {strides = array<i32>} : memref<50x128xi32, #tpu.memory_space<vmem>>, vector<16xi32>,
        %parallel_loop3A_428 = arith.constant 1 : i32
        %parallel_loop3A_429 = arith.constant 0 : i32
        %parallel_loop3A_430 = arith.constant 0 : i32
        %parallel_loop3A_431 = arith.constant 0 : i32
        %parallel_loop3A_432 = tpu.memref_slice %arg6[%parallel_loop3A_428, %parallel_loop3A_429, %parallel_loop3A_430, %parallel_loop3A_431] : memref<2x200x2x128xf32, #tpu.memory_space<vmem>> -> memref<1x200x2x128xf32, #tpu.memory_space<vmem>>
        %parallel_loop3A_433 = tpu.memref_squeeze %parallel_loop3A_432 : memref<1x200x2x128xf32, #tpu.memory_space<vmem>> -> memref<200x2x128xf32, #tpu.memory_space<vmem>>
        %parallel_loop3A_434 = tpu.vector_load_idx %parallel_loop3A_433[%broadcast_in_dim3A_106, %broadcast_in_dim3A_106, %parallel_loop3A_427] : memref<200x2x128xf32, #tpu.memory_space<vmem>>[vector<16xi32>, vector<16xi32>, vector<16xi32>], vector<16xf32>,
        %parallel_loop3A_435 = arith.constant 0 : i32
        %parallel_loop3A_436 = arith.index_cast %parallel_loop3A_207 : i32 to index
        %parallel_loop3A_437 = arith.index_cast %parallel_loop3A_435 : i32 to index
        %parallel_loop3A_438 = arith.constant 112 : index
        %parallel_loop3A_439 = tpu.vector_load %arg7[%parallel_loop3A_436, %parallel_loop3A_437, %parallel_loop3A_438] {strides = array<i32>} : memref<50x2x128xf32, #tpu.memory_space<vmem>>, vector<16xf32>,
        tpu.vector_store %arg7[%parallel_loop3A_436, %parallel_loop3A_437, %parallel_loop3A_438], %parallel_loop3A_434 {strides = array<i32>} : memref<50x2x128xf32, #tpu.memory_space<vmem>>, vector<16xf32>,
        %parallel_loop3A_440 = arith.constant 1 : i32
        %parallel_loop3A_441 = vector.broadcast %parallel_loop3A_440 : i32 to vector<16xi32>
        %parallel_loop3A_442 = arith.muli %parallel_loop3A_441, %broadcast_in_dim3A_110 : vector<16xi32>
        %parallel_loop3A_443 = arith.addi %parallel_loop3A_427, %parallel_loop3A_442 : vector<16xi32>
        %parallel_loop3A_444 = arith.constant 1 : i32
        %parallel_loop3A_445 = arith.constant 0 : i32
        %parallel_loop3A_446 = arith.constant 0 : i32
        %parallel_loop3A_447 = arith.constant 0 : i32
        %parallel_loop3A_448 = tpu.memref_slice %arg6[%parallel_loop3A_444, %parallel_loop3A_445, %parallel_loop3A_446, %parallel_loop3A_447] : memref<2x200x2x128xf32, #tpu.memory_space<vmem>> -> memref<1x200x2x128xf32, #tpu.memory_space<vmem>>
        %parallel_loop3A_449 = tpu.memref_squeeze %parallel_loop3A_448 : memref<1x200x2x128xf32, #tpu.memory_space<vmem>> -> memref<200x2x128xf32, #tpu.memory_space<vmem>>
        %parallel_loop3A_450 = tpu.vector_load_idx %parallel_loop3A_449[%broadcast_in_dim3A_106, %broadcast_in_dim3A_106, %parallel_loop3A_443] : memref<200x2x128xf32, #tpu.memory_space<vmem>>[vector<16xi32>, vector<16xi32>, vector<16xi32>], vector<16xf32>,
        %parallel_loop3A_451 = arith.constant 1 : i32
        %parallel_loop3A_452 = arith.index_cast %parallel_loop3A_207 : i32 to index
        %parallel_loop3A_453 = arith.index_cast %parallel_loop3A_451 : i32 to index
        %parallel_loop3A_454 = arith.constant 112 : index
        %parallel_loop3A_455 = tpu.vector_load %arg7[%parallel_loop3A_452, %parallel_loop3A_453, %parallel_loop3A_454] {strides = array<i32>} : memref<50x2x128xf32, #tpu.memory_space<vmem>>, vector<16xf32>,
        tpu.vector_store %arg7[%parallel_loop3A_452, %parallel_loop3A_453, %parallel_loop3A_454], %parallel_loop3A_450 {strides = array<i32>} : memref<50x2x128xf32, #tpu.memory_space<vmem>>, vector<16xf32>,
      } {sc.loop_unroll_factor = 4 : i64, sc.parallel_access}
      %mul3A_194 = arith.constant 2 : i32
      %mul3A_195 = arith.muli %add3A_165, %mul3A_194 : i32
      %dma_start3A_196 = arith.constant 0 : i32
      %dma_start3A_197 = tpu.memref_slice %arg4[%dma_start3A_196, %mul3A_195, %mul3A_2] : memref<50x64x4096xf32, #tpu.memory_space<hbm>> -> memref<50x2x128xf32, #tpu.memory_space<hbm>>
      %dma_start3A_198 = arith.constant 0 : i32
      %dma_start3A_199 = tpu.memref_slice %arg4[%dma_start3A_198, %mul3A_195, %mul3A_2] : memref<50x64x4096xf32, #tpu.memory_space<hbm>> -> memref<50x2x128xf32, #tpu.memory_space<hbm>>
      tpu.enqueue_dma source(%arg7 : memref<50x2x128xf32, #tpu.memory_space<vmem>>) target(%dma_start3A_199 : memref<50x2x128xf32, #tpu.memory_space<hbm>>) target_semaphore(%arg9 : memref<!tpu.dma_semaphore, #tpu.memory_space<semaphore_mem>>)
      %add3A_200 = arith.constant 2 : i32
      %add3A_201 = arith.addi %add3A_165, %add3A_200 : i32
      %lt3A_202 = arith.constant 32 : i32
      %lt3A_203 = arith.cmpi slt, %add3A_201, %lt3A_202 : i32
      %convert_element_type3A_204 = arith.extui %lt3A_203 : i1 to i32
      %cond3A_205 = arith.constant 0 : i32
      %cond3A_206 = arith.cmpi ne, %convert_element_type3A_204, %cond3A_205 : i32
      scf.if %cond3A_206 {
        %add3A_207 = arith.constant 2 : i32
        %add3A_208 = arith.addi %add3A_165, %add3A_207 : i32
        %mul3A_209 = arith.constant 2 : i32
        %mul3A_210 = arith.muli %add3A_208, %mul3A_209 : i32
        %dma_start3A_211 = arith.constant 1 : i32
        %dma_start3A_212 = arith.constant 1 : i32
        %dma_start3A_213 = arith.constant 0 : i32
        %dma_start3A_214 = arith.constant 0 : i32
        %dma_start3A_215 = arith.constant 0 : i32
        %dma_start3A_216 = tpu.memref_slice %arg6[%dma_start3A_211, %dma_start3A_213, %dma_start3A_214, %dma_start3A_215] : memref<2x200x2x128xf32, #tpu.memory_space<vmem>> -> memref<1x100x2x128xf32, #tpu.memory_space<vmem>>
        %dma_start3A_217 = tpu.memref_squeeze %dma_start3A_216 : memref<1x100x2x128xf32, #tpu.memory_space<vmem>> -> memref<100x2x128xf32, #tpu.memory_space<vmem>>
        %dma_start3A_218 = arith.constant 0 : i32
        %dma_start3A_219 = tpu.memref_slice %arg2[%dma_start3A_218, %mul3A_210, %mul3A_2] : memref<200x64x4096xf32, #tpu.memory_space<hbm>> -> memref<100x2x128xf32, #tpu.memory_space<hbm>>
        %dma_start3A_220 = tpu.memref_slice %arg8[%dma_start3A_212] : memref<2x!tpu.dma_semaphore, #tpu.memory_space<semaphore_mem>> -> memref<1x!tpu.dma_semaphore, #tpu.memory_space<semaphore_mem>>
        %dma_start3A_221 = tpu.memref_squeeze %dma_start3A_220 : memref<1x!tpu.dma_semaphore, #tpu.memory_space<semaphore_mem>> -> memref<!tpu.dma_semaphore, #tpu.memory_space<semaphore_mem>>
        %dma_start3A_222 = arith.constant 0 : i32
        %dma_start3A_223 = arith.constant 0 : i32
        %dma_start3A_224 = arith.constant 0 : i32
        %dma_start3A_225 = tpu.memref_slice %arg6[%dma_start3A_211, %dma_start3A_222, %dma_start3A_223, %dma_start3A_224] : memref<2x200x2x128xf32, #tpu.memory_space<vmem>> -> memref<1x100x2x128xf32, #tpu.memory_space<vmem>>
        %dma_start3A_226 = tpu.memref_squeeze %dma_start3A_225 : memref<1x100x2x128xf32, #tpu.memory_space<vmem>> -> memref<100x2x128xf32, #tpu.memory_space<vmem>>
        %dma_start3A_227 = arith.constant 0 : i32
        %dma_start3A_228 = tpu.memref_slice %arg2[%dma_start3A_227, %mul3A_210, %mul3A_2] : memref<200x64x4096xf32, #tpu.memory_space<hbm>> -> memref<100x2x128xf32, #tpu.memory_space<hbm>>
        tpu.enqueue_dma source(%dma_start3A_228 : memref<100x2x128xf32, #tpu.memory_space<hbm>>) target(%dma_start3A_226 : memref<100x2x128xf32, #tpu.memory_space<vmem>>) target_semaphore(%dma_start3A_221 : memref<!tpu.dma_semaphore, #tpu.memory_space<semaphore_mem>>)
        %mul3A_229 = arith.constant 2 : i32
        %mul3A_230 = arith.muli %add3A_208, %mul3A_229 : i32
        %dma_start3A_231 = arith.constant 1 : i32
        %dma_start3A_232 = arith.constant 1 : i32
        %dma_start3A_233 = arith.constant 100 : i32
        %dma_start3A_234 = arith.constant 0 : i32
        %dma_start3A_235 = arith.constant 0 : i32
        %dma_start3A_236 = tpu.memref_slice %arg6[%dma_start3A_231, %dma_start3A_233, %dma_start3A_234, %dma_start3A_235] : memref<2x200x2x128xf32, #tpu.memory_space<vmem>> -> memref<1x100x2x128xf32, #tpu.memory_space<vmem>>
        %dma_start3A_237 = tpu.memref_squeeze %dma_start3A_236 : memref<1x100x2x128xf32, #tpu.memory_space<vmem>> -> memref<100x2x128xf32, #tpu.memory_space<vmem>>
        %dma_start3A_238 = arith.constant 100 : i32
        %dma_start3A_239 = tpu.memref_slice %arg2[%dma_start3A_238, %mul3A_230, %mul3A_2] : memref<200x64x4096xf32, #tpu.memory_space<hbm>> -> memref<100x2x128xf32, #tpu.memory_space<hbm>>
        %dma_start3A_240 = tpu.memref_slice %arg8[%dma_start3A_232] : memref<2x!tpu.dma_semaphore, #tpu.memory_space<semaphore_mem>> -> memref<1x!tpu.dma_semaphore, #tpu.memory_space<semaphore_mem>>
        %dma_start3A_241 = tpu.memref_squeeze %dma_start3A_240 : memref<1x!tpu.dma_semaphore, #tpu.memory_space<semaphore_mem>> -> memref<!tpu.dma_semaphore, #tpu.memory_space<semaphore_mem>>
        %dma_start3A_242 = arith.constant 100 : i32
        %dma_start3A_243 = arith.constant 0 : i32
        %dma_start3A_244 = arith.constant 0 : i32
        %dma_start3A_245 = tpu.memref_slice %arg6[%dma_start3A_231, %dma_start3A_242, %dma_start3A_243, %dma_start3A_244] : memref<2x200x2x128xf32, #tpu.memory_space<vmem>> -> memref<1x100x2x128xf32, #tpu.memory_space<vmem>>
        %dma_start3A_246 = tpu.memref_squeeze %dma_start3A_245 : memref<1x100x2x128xf32, #tpu.memory_space<vmem>> -> memref<100x2x128xf32, #tpu.memory_space<vmem>>
        %dma_start3A_247 = arith.constant 100 : i32
        %dma_start3A_248 = tpu.memref_slice %arg2[%dma_start3A_247, %mul3A_230, %mul3A_2] : memref<200x64x4096xf32, #tpu.memory_space<hbm>> -> memref<100x2x128xf32, #tpu.memory_space<hbm>>
        tpu.enqueue_dma source(%dma_start3A_248 : memref<100x2x128xf32, #tpu.memory_space<hbm>>) target(%dma_start3A_246 : memref<100x2x128xf32, #tpu.memory_space<vmem>>) target_semaphore(%dma_start3A_241 : memref<!tpu.dma_semaphore, #tpu.memory_space<semaphore_mem>>)
      } else {
      }
    }
    %scan3A_116 = arith.constant 16 : i32
    %dma_wait3A = arith.constant 0 : i32
    %dma_wait3A_117 = arith.constant 0 : i32
    %dma_wait3A_118 = tpu.memref_slice %arg4[%dma_wait3A, %dma_wait3A_117, %mul3A_2] : memref<50x64x4096xf32, #tpu.memory_space<hbm>> -> memref<50x2x128xf32, #tpu.memory_space<hbm>>
    %dma_wait3A_119 = arith.constant 0 : i32
    %dma_wait3A_120 = arith.constant 0 : i32
    %dma_wait3A_121 = tpu.memref_slice %arg4[%dma_wait3A_119, %dma_wait3A_120, %mul3A_2] : memref<50x64x4096xf32, #tpu.memory_space<hbm>> -> memref<50x2x128xf32, #tpu.memory_space<hbm>>
    tpu.wait_dma2 semaphore(%arg9 : memref<!tpu.dma_semaphore, #tpu.memory_space<semaphore_mem>>) src(%arg7 : memref<50x2x128xf32, #tpu.memory_space<vmem>>) dst(%dma_wait3A_121 : memref<50x2x128xf32, #tpu.memory_space<hbm>>)
    return
  }
}

</mosaic_0001>

<sc_bundles>
// kernel: kernel.3.cloned.1.call-start
scs
__scs_entry_jumppad:
0x0: {  	(pc) =	sbr.rel $0x88, $3  }
0x1: {  	(tag) =	ssettag $0x0;
	lr =	simm.s32 $0x1  }
0x2: {  	[smem:$0x3F9F] =	sst lr;
	_ =	strace $0xD0000000  }
0x3: {  	_ = 	snop  }
0x4: {  	_ = 	snop  }
0x5: {  	_ = 	snop  }
0x6: {  	_ = 	snop  }
0x7: {  	_ = 	snop  }
__scs_overlays_trampoline_lowered:
0x8: {  	[smem:$0x3FAE] =	sst s0  }
0x9: {  	[smem:$0x3FAF] =	sst s1  }
0xa: {  	[smem:$0x3FB0] =	sst s2  }
0xb: {  	[smem:$0x3FB1] =	sst s3  }
0xc: {  	[smem:$0x3FB2] =	sst s4  }
0xd: {  	[smem:$0x3FB3] =	sst s5  }
0xe: {  	[smem:$0x3FB4] =	sst s6  }
0xf: {  	[smem:$0x3FB5] =	sst s7  }
0x10: {  	[smem:$0x3FB6] =	sst s8  }
0x11: {  	[smem:$0x3FB7] =	sst s9;
	s0 =	simm.s32 @!p0 $0x0  }
0x12: {  	s1 =	sld [smem:$0x3F9D];
	s0 =	simm.s32 @p0 $0x1  }
0x13: {  	[smem:$0x3FB8] =	sst s0;
	s0 =	simm.s32 @!p1 $0x0  }
0x14: {  	s2 =	sld [smem:$0x3F9C];
	s0 =	simm.s32 @p1 $0x1  }
0x15: {  	[smem:$0x3FB9] =	sst s0;
	s0 =	simm.s32 @!p2 $0x0  }
0x16: {  	s3 =	sld [smem:$0x3FDB];
	s0 =	simm.s32 @p2 $0x1  }
0x17: {  	s4 =	simm.s32 $0x1BF5;
	[smem:$0x3FBB] =	sst s0  }
0x18: {  	s0 =	sld [smem:$0x3F9E];
	_ =	swait.ge [sflag:s4], $0x0  }
0x19: {  	s7 =	sld [smem:$0x3F9F]  }
0x1a: {  	s8 =	sadd.s32 $0xFFFFE003, lr  }
0x1b: {  	s9 =	sadd.s32 $0xFFFFFEF7, lr;
	s5 =	simm.s32 $0xFFFFFFFF;
	p2 =	slt.u32 s8, $0xFFFFF086  }
0x1c: {  	p1 =	slt.u32 s9, $0xF7A;
	s5 =	simm.s32 @!p2 $0x0  }
0x1d: {  	s5 =	simm.s32 @p1 $0x1;
	p0 =	seq.s32 s7, s2  }
0x1e: {  	s7 =	smul.u32 @!p0 $0xF7A, s2;
	p2 =	seq.s32 @!p0 s5, $0x0  }
0x1f: {  	s9 =	smul.u32 $0xF7A, s1;
	s8 =	simm.s32 @!p0 $0x1BF5;
	p2 =	por !p2, p0  }
0x20: {  	[sflag:s8] =	ssyncset.s32 @!p0 $0xFFFFF086;
	s6 =	sadd.s32 @!p0 s3, s7;
	s7 =	simm.s32 @!p0 $0x108  }
0x21: {  	s3 =	sadd.s32 s3, s9;
	s6 =	sadd.s32 @!p0 $0x88, s6;
	s7 =	simm.s32 @p2 $0x1082  }
0x22: {  	[simem:s7], [sflag:s8] =	dma.local @!p0 [hbm:s6], $0xF7A  }
0x23: {  	s9 =	sor.u32 $0xD0000000, s2;
	s6 =	simm.s32 $0x108;
	_ =	swait.ge @!p0 [sflag:s8], $0x0  }
0x24: {  	s3 =	sadd.s32 $0x88, s3;
	s6 =	simm.s32 @!p1 $0x1082;
	[sflag:s4] =	ssyncset.s32 $0xFFFFF086  }
0x25: {  	[simem:s6], [sflag:s4] =	dma.local [hbm:s3], $0xF7A  }
0x26: {  	[smem:$0x3F9F] =	sst s1;
	(tag) =	ssettag s2;
	_ =	strace s9  }
0x27: {  	s1 =	sld [smem:$0x3FAF]  }
0x28: {  	s2 =	sld [smem:$0x3FB0]  }
0x29: {  	s4 =	sld [smem:$0x3FB2]  }
0x2a: {  	p0 =	seq.s32 s5, $0x0;
	s5 =	sld [smem:$0x3FB3]  }
0x2b: {  	s6 =	sld [smem:$0x3FB4]  }
0x2c: {  	s7 =	sld [smem:$0x3FB5]  }
0x2d: {  	s3 =	simm.s32 $0x108;
	s8 =	sld [smem:$0x3FB6]  }
0x2e: {  	s3 =	simm.s32 @!p0 $0x1082;
	s9 =	sld [smem:$0x3FB7]  }
0x2f: {  	lr =	sadd.s32 s0, s3;
	s0 =	sld [smem:$0x3FAE]  }
0x30: {  	s3 =	sld [smem:$0x3FB1]  }
0x31: {  	[smem:$0x3FBA] =	sst s10  }
0x32: {  	s10 =	sld [smem:$0x3FB8];
	_ =	sdelay $0x3  }
0x33: {  	p0 =	seq.s32 s10, $0x1;
	s10 =	sld [smem:$0x3FBA];
	_ =	sdelay $0x3  }
0x34: {  	[smem:$0x3FBA] =	sst s10  }
0x35: {  	s10 =	sld [smem:$0x3FB9];
	_ =	sdelay $0x3  }
0x36: {  	p1 =	seq.s32 s10, $0x1;
	s10 =	sld [smem:$0x3FBA];
	_ =	sdelay $0x3  }
0x37: {  	[smem:$0x3FBA] =	sst s10  }
0x38: {  	s10 =	sld [smem:$0x3FBB]  }
0x39: {  	_ = 	snop;
	(pc) =	sbr.ind lr, $3  }
0x3a: {  	_ = 	snop  }
0x3b: {  	_ = 	snop  }
0x3c: {  	p2 =	seq.s32 s10, $0x1;
	s10 =	sld [smem:$0x3FBA]  }
0x3d: {  	_ =	shalt  }
0x3e: {  	_ =	shalt  }
0x3f: {  	_ =	shalt  }
0x40: {  	_ =	shalt  }
0x41: {  	_ =	shalt  }
0x42: {  	_ =	shalt  }
0x43: {  	_ =	shalt  }
0x44: {  	_ =	shalt  }
0x45: {  	_ =	shalt  }
0x46: {  	_ =	shalt  }
0x47: {  	_ =	shalt  }
0x48: {  	_ =	shalt  }
0x49: {  	_ =	shalt  }
0x4a: {  	_ =	shalt  }
0x4b: {  	_ =	shalt  }
0x4c: {  	_ =	shalt  }
0x4d: {  	_ =	shalt  }
0x4e: {  	_ =	shalt  }
0x4f: {  	_ =	shalt  }
0x50: {  	_ =	shalt  }
0x51: {  	_ =	shalt  }
0x52: {  	_ =	shalt  }
0x53: {  	_ =	shalt  }
0x54: {  	_ =	shalt  }
0x55: {  	_ =	shalt  }
0x56: {  	_ =	shalt  }
0x57: {  	_ =	shalt  }
0x58: {  	_ =	shalt  }
0x59: {  	_ =	shalt  }
0x5a: {  	_ =	shalt  }
0x5b: {  	_ =	shalt  }
0x5c: {  	_ =	shalt  }
0x5d: {  	_ =	shalt  }
0x5e: {  	_ =	shalt  }
0x5f: {  	_ =	shalt  }
0x60: {  	_ =	shalt  }
0x61: {  	_ =	shalt  }
0x62: {  	_ =	shalt  }
0x63: {  	_ =	shalt  }
0x64: {  	_ =	shalt  }
0x65: {  	_ =	shalt  }
0x66: {  	_ =	shalt  }
0x67: {  	_ =	shalt  }
0x68: {  	_ =	shalt  }
0x69: {  	_ =	shalt  }
0x6a: {  	_ =	shalt  }
0x6b: {  	_ =	shalt  }
0x6c: {  	_ =	shalt  }
0x6d: {  	_ =	shalt  }
0x6e: {  	_ =	shalt  }
0x6f: {  	_ =	shalt  }
0x70: {  	_ =	shalt  }
0x71: {  	_ =	shalt  }
0x72: {  	_ =	shalt  }
0x73: {  	_ =	shalt  }
0x74: {  	_ =	shalt  }
0x75: {  	_ =	shalt  }
0x76: {  	_ =	shalt  }
0x77: {  	_ =	shalt  }
0x78: {  	_ =	shalt  }
0x79: {  	_ =	shalt  }
0x7a: {  	_ =	shalt  }
0x7b: {  	_ =	shalt  }
0x7c: {  	_ =	shalt  }
0x7d: {  	_ =	shalt  }
0x7e: {  	_ =	shalt  }
0x7f: {  	_ =	shalt  }
0x80: {  	_ =	shalt  }
0x81: {  	_ =	shalt  }
0x82: {  	_ =	shalt  }
0x83: {  	_ =	shalt  }
0x84: {  	_ =	shalt  }
0x85: {  	_ =	shalt  }
0x86: {  	_ =	shalt  }
0x87: {  	_ =	shalt  }
.Lfunc_end0:
.L_simem_size_0:
called_computation_lowered:
.L_overlay_start_0:
0x88: {  	s2 =	sld [smem:$0x3FD9]  }
0x89: {  	s3 =	sld [smem:$0x3FFE];
	_ =	sdelay $0x1  }
0x8a: {  	s1 =	srdreg.scid  }
0x8b: {  	s0 =	sand.u32 $0x1, s1  }
0x8c: {  	s18 =	sshll.u32 s0, $0xA;
	s2 =	sadd.s32 s3, s2  }
0x8d: {  	s2 =	sadd.s32 s2, s18  }
0x8e: {  	[smem:$0x3FC6] =	sst s2  }
0x8f: {  	_ = 	snop  }
0x90: {  	s2 =	sld [smem:$0x3FC9]  }
0x91: {  	s19 =	sld [smem:$0x3FC8]  }
0x92: {  	s4 =	sld [smem:$0x3FD0];
	(tm) =	ssettm $0x1  }
0x93: {  	s5 =	sld [smem:$0x3FFB];
	_ =	sdelay $0x3  }
0x94: {  	_ =	strace s5  }
0x95: {  	s5 =	sld [smem:$0x3FFC];
	_ =	sdelay $0x3  }
0x96: {  	_ =	strace s5  }
0x97: {  	s5 =	sld [smem:$0x3FFD];
	_ =	sdelay $0x3  }
0x98: {  	_ =	strace s5  }
0x99: {  	_ =	strace $0x8FFFFFFF  }
0x9a: {  	s20 =	sld [smem:$0x3FDB];
	_ =	sdelay $0x1  }
0x9b: {  	s6 =	simm.s32 $_scs_section_size  }
0x9c: {  	s7 =	simm.s32 $_size__tile_overlayer_lowered;
	s8 =	simm.s32 $_tile_overlayer_lowered  }
0x9d: {  	s23 =	simm.s32 $0x1BFF;
	s22 =	sshll.u32 s8, $0x1;
	s5 =	sadd.s32 s6, s20  }
0x9e: {  	s9 =	simm.s32 $0x0;
	s21 =	sshll.u32 s7, $0x1;
	s7 =	sadd.s32 s22, s5  }
0x9f: {  	[timem:s9], [sflag:s23] =	dma.local [hbm:s7], s21  }
0xa0: {  	_ =	swait.ge [sflag:s23], s21  }
0xa1: {  	s6 =	ssub.s32 $0x0, s21;
	[sflag:s23] =	ssyncset.done $0x0  }
0xa2: {  	[sflag:s23] =	ssyncadd.s32 s6;
	_ =	sdelay $0x1  }
0xa3: {  	s24 =	simm.s32 $0x1B8B  }
0xa4: {  	_ =	swait.ge [sflag:s24], $0x1  }
0xa5: {  	[sflag:s24] =	ssyncset.done $0x0  }
0xa6: {  	s25 =	simm.s32 $0x1B8E;
	[sflag:s24] =	ssyncadd.s32 $0xFFFFFFFF  }
0xa7: {  	s26 =	simm.s32 $execute0_lowered;
	[smem:$0x3FD2] =	sst s25  }
0xa8: {  	s6 =	sshll.u32 s26, $0x1;
	_ =	strace $0x80000046;
	[dreg:$0x1] =	wrdreg $0xFFFFFFFF  }
0xa9: {  	s28 =	simm.s32 $_size_execute0_lowered;
	s5 =	sadd.s32 s5, s6;
	[dreg:$0x0] =	wrdreg $0x0  }
0xaa: {  	s6 =	sshll.u32 s28, $0x1;
	[dreg:$0x2] =	wrdreg s5  }
0xab: {  	[dreg:$0x3] =	wrdreg s6  }
0xac: {  	[dreg:$0x4] =	wrdreg $0xC0  }
0xad: {  	_ =	task [dreg:s9], $0x5FFFF  }
0xae: {  	[dreg:$0x1] =	wrdreg $0xFFFFFFFF  }
0xaf: {  	[dreg:$0x0] =	wrdreg $0x60  }
0xb0: {  	[dreg:$0x2] =	wrdreg s2  }
0xb1: {  	[dreg:$0x3] =	wrdreg s19  }
0xb2: {  	[dreg:$0x4] =	wrdreg s4  }
0xb3: {  	[dreg:$0x5] =	wrdreg $0x9  }
0xb4: {  	_ =	task.clear_ibuf [dreg:s9], $0x6FFFF;
	_ =	strace $0x90000046  }
0xb5: {  	s29 =	simm.s32 $0x9;
	_ =	strace $0x80000048  }
0xb6: {  	_ =	swait.ge [sflag:s29], $0x1  }
0xb7: {  	[sflag:s29] =	ssyncadd.s32 $0xFFFFFFFF  }
0xb8: {  	_ =	strace $0x90000048  }
0xb9: {  	_ =	sfence  }
0xba: {  	s30 =	sld [smem:$0x0];
	_ =	sdelay $0x2  }
0xbb: {  	s31 =	sshll.u32 s1, $0xD;
	s1 =	sshrl.u32 s1, $0x2  }
0xbc: {  	s3 =	sand.u32 $0x4000, s31;
	s1 =	sadd.s32 s1, s30  }
0xbd: {  	s0 =	sor.u32 s3, s0;
	s1 =	sshll.u32 s1, $0x11  }
0xbe: {  	s0 =	sor.u32 s1, s0  }
0xbf: {  	s0 =	sadd.s32 $0x8F2B, s0  }
0xc0: {  	[sflag:s0] =	ssyncadd.remote.s32 $0x1  }
0xc1: {  	_ =	sfence.sel $0xFFFF  }
0xc2: {  	[dreg:$0x0] =	wrdreg $0xFFFFFFFF;
	(pc) =	sbr.abs _section_cstart, $3  }
0xc3: {  	[dreg:$0x1] =	wrdreg $0xFFFFFFFF  }
0xc4: {  	_ =	task.clear_ibuf [dreg:s9], $0x2FFFF;
	_ =	strace $0x9FFFFFFF  }
0xc5: {  	(tm) =	ssettm $0x7FFFFFFF  }
tec
execute0_lowered:
.L_overlay_start_1:
0x0: {  	(tag) =	ssettag $0x1  }
0x1: {  	s1 =	rddreg [dreg:$0x0]  }
0x2: {  	s0 =	rddreg [dreg:$0x1]  }
0x3: {  	s2 =	rddreg [dreg:$0x2];
	s4 =	simm.s32 $0x0  }
0x4: {  	s3 =	srdreg.scid;
	s5 =	stileid.u32;
	s14 =	simm.s32 $0x100  }
0x5: {  	s15 =	simm.s32 $0x40000;
	s16 =	simm.s32 $0x1C00;
	s18 =	simm.s32 $0xE400  }
0x6: {  	s19 =	simm.s32 $0x14800;
	s22 =	simm.s32 $0x4;
	s23 =	simm.s32 $0x1  }
0x7: {  	s24 =	simm.s32 $0x1AC00;
	s25 =	simm.s32 $0x2;
	s26 =	simm.s32 $0x3  }
0x8: {  	s28 =	simm.s32 $0x0;
	[smem:$0x7FF] =	sst s4;
	s3 =	sand.u32 $0x1, s3  }
0x9: {  	s5 =	sshll.u32 s5, $0xB;
	s29 =	ssub.s32 $0x2, s3;
	s3 =	sshll.u32 s3, $0xA  }
.Ltmp0:
0xa: {  	s6 =	sshrl.u32 s29, $0x1;
	s5 =	sor.u32 s3, s5;
	(pc) =	sbr.rel .LBB2_1-.Ltmp0, $4  }
0xb: {  	v0 =	vlaneseq.u32;
	s30 =	ssub.s32 s29, s6;
	s31 =	sshrl.u32 s5, $0x3;
	s6 =	sadd.s32 $0x320000, s1  }
0xc: {  	v1 =	vor.u32 $0x10, v0;
	_ =	strace $0x80000047;
	s7 =	sadd.s32 s1, s31;
	s8 =	sadd.s32 s31, s6  }
0xd: {  	v2 =	vor.u32 $0x20, v0;
	v3 =	vor.u32 $0x30, v0;
	v4 =	vor.u32 $0x40, v0;
	s9 =	sadd.s32 s0, s31;
	s13 =	smax.u32 s30, $0x1;
	[dreg:$0x4] =	wrdreg s8  }
0xe: {  	v5 =	vor.u32 $0x50, v0;
	v6 =	vor.u32 $0x60, v0;
	v7 =	vor.u32 $0x70, v0;
	s10 =	sadd.s32 $0x20, s7;
	s11 =	sadd.s32 $0x320020, s7;
	s12 =	sadd.s32 $0x6000, s9  }
.LBB2_14:
0xf: {  	s28 =	sadd.s32 $0x1, s28  }
0x10: {  	p0 =	sne.s32 s28, s13  }
.Ltmp1:
0x11: {  	_ = 	snop;
	(pc) =	sbr.rel @!p0 .LBB2_15-.Ltmp1, $4  }
0x12: {  	_ = 	snop  }
0x13: {  	_ =	swait.ge [sflag:s26], $0x3200  }
0x14: {  	[sflag:s26] =	ssyncset.done $0x0  }
0x15: {  	[sflag:s26] =	ssyncadd.s32 $0xFFFFCE00  }
.LBB2_1:
0x16: {  	[tilespmem:s16], [sflag:$0x1] =	stream.strided.gather [hbm4b:s7+s14], $0x6400, s15, s14, $0x38;
	[tilespmem:$0x1DE00] =	vst v63  }
0x17: {  	s0 =	rddreg [dreg:$0x4];
	s3 =	simm.s32 $0x8000  }
0x18: {  	[tilespmem:s3], [sflag:$0x1] =	stream.strided.gather [hbm4b:s0+s14], $0x6400, s15, s14, $0x38;
	[tilespmem:$0x1DE00] =	vst v63  }
0x19: {  	_ = 	snop  }
0x1a: {  	[tilespmem:s18], [sflag:$0x2] =	stream.strided.gather [hbm4b:s10+s14], $0x6400, s15, s14, $0x38;
	[tilespmem:$0x1DE00] =	vst v63  }
0x1b: {  	_ = 	snop  }
0x1c: {  	[tilespmem:s19], [sflag:$0x2] =	stream.strided.gather [hbm4b:s11+s14], $0x6400, s15, s14, $0x38;
	[tilespmem:$0x1DE00] =	vst v63  }
0x1d: {  	s30 =	simm.s32 $0x0;
	s4 =	simm.s32 $0x400  }
0x1e: {  	[tilespmem:s30], [sflag:$0x4] =	stream.strided.gather [hbm4b:s9+s4], $0x1800, s3, s4, $0x38;
	[tilespmem:$0x1DE00] =	vst v63  }
0x1f: {  	s31 =	simm.s32 $0x1800  }
0x20: {  	[tilespmem:s31], [sflag:$0x4] =	stream.linear.gather [hbm4b:s12+s30], $0x100, $0x38;
	[tilespmem:$0x1DE00] =	vst v63  }
0x21: {  	_ =	swait.ge [sflag:s22], $0x1900  }
0x22: {  	[sflag:s22] =	ssyncset.done $0x0  }
0x23: {  	s0 =	simm.s32 $0x80;
	[sflag:s22] =	ssyncadd.s32 $0xFFFFE700  }
0x24: {  	v8 =	vld [tilespmem:s0+$0x70]  }
0x25: {  	v9 =	vld [tilespmem:s0+$0xFFFFFF90]  }
0x26: {  	v10 =	vld [tilespmem:s0+$0xFFFFFFA0]  }
0x27: {  	v11 =	vld [tilespmem:s0+$0xFFFFFFB0]  }
0x28: {  	v12 =	vld [tilespmem:s0+$0xFFFFFFC0]  }
0x29: {  	v13 =	vld [tilespmem:s0+$0xFFFFFFD0];
	v8 =	vshll.u32 v8, $0x8  }
0x2a: {  	v14 =	vld [tilespmem:s0+$0xFFFFFFE0];
	v9 =	vshll.u32 v9, $0x8;
	v8 =	vor.u32 v7, v8  }
0x2b: {  	v15 =	vld [tilespmem:s0+$0xFFFFFFF0];
	v10 =	vshll.u32 v10, $0x8;
	v9 =	vor.u32 v1, v9;
	[tilespmem:s0+$0x70] =	vst v8  }
0x2c: {  	[tilespmem:s0+$0xFFFFFF90] =	vst v9;
	v8 =	vor.u32 v2, v10;
	v9 =	vshll.u32 v11, $0x8;
	v10 =	vld [tilespmem:s0+$0x0]  }
0x2d: {  	v11 =	vld [tilespmem:s0+$0x10];
	[tilespmem:s0+$0xFFFFFFA0] =	vst v8;
	v8 =	vor.u32 v3, v9;
	v9 =	vshll.u32 v12, $0x8  }
0x2e: {  	v16 =	vld [tilespmem:s0+$0x20];
	[tilespmem:s0+$0xFFFFFFB0] =	vst v8;
	v8 =	vor.u32 v4, v9;
	v9 =	vshll.u32 v13, $0x8  }
0x2f: {  	v12 =	vshll.u32 v14, $0x8;
	[tilespmem:s0+$0xFFFFFFC0] =	vst v8;
	v9 =	vor.u32 v5, v9;
	v8 =	vld [tilespmem:s0+$0x30]  }
0x30: {  	v12 =	vor.u32 v6, v12;
	v13 =	vshll.u32 v15, $0x8;
	[tilespmem:s0+$0xFFFFFFD0] =	vst v9;
	v9 =	vld [tilespmem:s0+$0x40]  }
0x31: {  	[tilespmem:s0+$0xFFFFFFE0] =	vst v12;
	v12 =	vor.u32 v7, v13;
	v13 =	vshll.u32 v10, $0x8;
	v10 =	vld [tilespmem:s0+$0x50]  }
0x32: {  	[tilespmem:s0+$0xFFFFFFF0] =	vst v12;
	v14 =	vshll.u32 v11, $0x8;
	v11 =	vld [tilespmem:s0+$0x60];
	v13 =	vor.u32 v0, v13  }
0x33: {  	s3 =	simm.s32 $0x0;
	s4 =	simm.s32 $0x180;
	v12 =	vld [tilespmem:s0+$0xFFFFFF80];
	[tilespmem:s0+$0x0] =	vst v13;
	v13 =	vor.u32 v1, v14;
	v14 =	vshll.u32 v16, $0x8  }
.LBB2_2:
0x34: {  	v15 =	vld [tilespmem:s4+$0x70];
	s3 =	sadd.s32 $0x2, s3;
	[tilespmem:s0+$0x10] =	vst v13;
	v13 =	vor.u32 v2, v14;
	v8 =	vshll.u32 v8, $0x8  }
0x35: {  	v14 =	vld [tilespmem:s4+$0xFFFFFF90];
	p0 =	slt.u32 s3, $0x30;
	[tilespmem:s0+$0x20] =	vst v13;
	v8 =	vor.u32 v3, v8;
	v9 =	vshll.u32 v9, $0x8  }
0x36: {  	v13 =	vld [tilespmem:s4+$0xFFFFFFA0];
	[tilespmem:s0+$0x30] =	vst v8;
	v8 =	vor.u32 v4, v9;
	v9 =	vshll.u32 v10, $0x8  }
0x37: {  	v10 =	vld [tilespmem:s4+$0xFFFFFFB0];
	[tilespmem:s0+$0x40] =	vst v8;
	v8 =	vor.u32 v5, v9;
	v9 =	vshll.u32 v11, $0x8  }
0x38: {  	v11 =	vld [tilespmem:s4+$0xFFFFFFC0];
	v12 =	vshll.u32 v12, $0x8;
	[tilespmem:s0+$0x50] =	vst v8;
	v8 =	vor.u32 v6, v9  }
0x39: {  	v9 =	vld [tilespmem:s4+$0xFFFFFFD0];
	v15 =	vshll.u32 v15, $0x8;
	v12 =	vor.u32 v0, v12;
	[tilespmem:s0+$0x60] =	vst v8  }
0x3a: {  	v8 =	vshll.u32 v14, $0x8;
	v14 =	vld [tilespmem:s4+$0xFFFFFFE0];
	v15 =	vor.u32 v7, v15;
	[tilespmem:s0+$0xFFFFFF80] =	vst v12;
	s0 =	smov.u32 s4  }
0x3b: {  	s29 =	simm.s32 $0x0;
	v8 =	vor.u32 v1, v8;
	v12 =	vshll.u32 v13, $0x8;
	v13 =	vld [tilespmem:s4+$0xFFFFFFF0];
	[tilespmem:s4+$0x70] =	vst v15  }
0x3c: {  	[tilespmem:s4+$0xFFFFFF90] =	vst v8;
	v8 =	vor.u32 v2, v12;
	v10 =	vshll.u32 v10, $0x8;
	v12 =	vld [tilespmem:s4+$0x0]  }
0x3d: {  	[tilespmem:s4+$0xFFFFFFA0] =	vst v8;
	v8 =	vor.u32 v3, v10;
	v10 =	vshll.u32 v11, $0x8;
	v11 =	vld [tilespmem:s4+$0x10]  }
0x3e: {  	[tilespmem:s4+$0xFFFFFFB0] =	vst v8;
	v8 =	vor.u32 v4, v10;
	v9 =	vshll.u32 v9, $0x8;
	v15 =	vld [tilespmem:s4+$0x20]  }
.Ltmp2:
0x3f: {  	[tilespmem:s4+$0xFFFFFFC0] =	vst v8;
	v9 =	vor.u32 v5, v9;
	v10 =	vshll.u32 v14, $0x8;
	v8 =	vld [tilespmem:s4+$0x30];
	(pc) =	sbr.rel @p0 .LBB2_2-.Ltmp2, $4  }
0x40: {  	[tilespmem:s4+$0xFFFFFFD0] =	vst v9;
	v10 =	vor.u32 v6, v10;
	v13 =	vshll.u32 v13, $0x8;
	v9 =	vld [tilespmem:s4+$0x40]  }
0x41: {  	[tilespmem:s4+$0xFFFFFFE0] =	vst v10;
	v13 =	vor.u32 v7, v13;
	v12 =	vshll.u32 v12, $0x8;
	v10 =	vld [tilespmem:s4+$0x50]  }
0x42: {  	[tilespmem:s4+$0xFFFFFFF0] =	vst v13;
	v13 =	vor.u32 v0, v12;
	v14 =	vshll.u32 v11, $0x8;
	v11 =	vld [tilespmem:s4+$0x60]  }
0x43: {  	s4 =	sadd.s32 $0x100, s4;
	v12 =	vld [tilespmem:s0+$0xFFFFFF80];
	[tilespmem:s0+$0x0] =	vst v13;
	v13 =	vor.u32 v1, v14;
	v14 =	vshll.u32 v15, $0x8  }
0x44: {  	[tilespmem:s0+$0x10] =	vst v13;
	v59 =	vor.u32 v2, v14;
	v8 =	vshll.u32 v8, $0x8  }
0x45: {  	[tilespmem:s0+$0x20] =	vst v59;
	v8 =	vor.u32 v3, v8;
	v9 =	vshll.u32 v9, $0x8  }
0x46: {  	[tilespmem:s0+$0x30] =	vst v8;
	v8 =	vor.u32 v4, v9;
	v60 =	vshll.u32 v10, $0x8  }
0x47: {  	[tilespmem:s0+$0x40] =	vst v8;
	v8 =	vor.u32 v5, v60;
	v61 =	vshll.u32 v11, $0x8  }
0x48: {  	v62 =	vshll.u32 v12, $0x8;
	[tilespmem:s0+$0x50] =	vst v8;
	v8 =	vor.u32 v6, v61  }
0x49: {  	v63 =	vor.u32 v0, v62;
	[tilespmem:s0+$0x60] =	vst v8  }
0x4a: {  	[tilespmem:s0+$0xFFFFFF80] =	vst v63  }
.LBB2_4:
0x4b: {  	_ =	swait.ge [sflag:s23], $0xC800  }
0x4c: {  	p0 =	seq.s32 s29, $0x0;
	[sflag:s23] =	ssyncset.done $0x0  }
0x4d: {  	s0 =	simm.s32 @!p0 $0x3;
	[sflag:s23] =	ssyncadd.s32 $0xFFFF3800  }
0x4e: {  	_ =	swait.ge @!p0 [sflag:s0], $0x3200  }
0x4f: {  	[sflag:s0] =	ssyncset.done @!p0 $0x0  }
0x50: {  	s4 =	simm.s32 $0x100;
	[sflag:s0] =	ssyncadd.s32 @!p0 $0xFFFFCE00  }
0x51: {  	v8 =	vld [tilespmem:s4+$0x80];
	_ =	sdelay $0x1  }
0x52: {  	v9 =	vld [tilespmem:s4+$0xFFFFFF00]  }
0x53: {  	v10 =	vld [tilespmem:s4+$0xFFFFFF80];
	_ =	sdelay $0x1  }
0x54: {  	v11 =	vld [tilespmem:s4+$0x0];
	_ =	sdelay $0x2  }
0x55: {  	v12 =	vld.idx.msk [tilespmem:v8+s16+$0x0], $0xffff  }
0x56: {  	v8 =	vadd.s32 $0x80, v8  }
0x57: {  	v13 =	vld.idx.msk [tilespmem:v9+s16+$0x0], $0xffff  }
0x58: {  	v9 =	vadd.s32 $0x80, v9;
	v14 =	vld.idx.msk [tilespmem:v10+s16+$0x0], $0xffff  }
0x59: {  	s0 =	simm.s32 $0x1AE00;
	v10 =	vadd.s32 $0x80, v10  }
0x5a: {  	v15 =	vld.idx.msk [tilespmem:v11+s16+$0x0], $0xffff;
	[tilespmem:s0+$0x100] =	vst v12  }
0x5b: {  	v11 =	vadd.s32 $0x80, v11;
	v8 =	vld.idx.msk [tilespmem:v8+s16+$0x0], $0xffff  }
0x5c: {  	[tilespmem:s0+$0xFFFFFE00] =	vst v13  }
0x5d: {  	[tilespmem:s0+$0xFFFFFF00] =	vst v14;
	v9 =	vld.idx.msk [tilespmem:v9+s16+$0x0], $0xffff  }
0x5e: {  	v10 =	vld.idx.msk [tilespmem:v10+s16+$0x0], $0xffff  }
0x5f: {  	[tilespmem:s0+$0x0] =	vst v15  }
0x60: {  	v11 =	vld.idx.msk [tilespmem:v11+s16+$0x0], $0xffff;
	[tilespmem:s0+$0x180] =	vst v8  }
0x61: {  	v8 =	vld [tilespmem:s4+$0x90]  }
0x62: {  	[tilespmem:s0+$0xFFFFFE80] =	vst v9  }
0x63: {  	[tilespmem:s0+$0xFFFFFF80] =	vst v10;
	v9 =	vld [tilespmem:s4+$0xFFFFFF10]  }
0x64: {  	v10 =	vld [tilespmem:s4+$0xFFFFFF90]  }
0x65: {  	[tilespmem:s0+$0x80] =	vst v11  }
0x66: {  	v11 =	vld [tilespmem:s4+$0x10];
	_ =	sdelay $0x2  }
0x67: {  	v12 =	vld.idx.msk [tilespmem:v8+s16+$0x0], $0xffff  }
0x68: {  	v8 =	vadd.s32 $0x80, v8  }
0x69: {  	v13 =	vld.idx.msk [tilespmem:v9+s16+$0x0], $0xffff  }
0x6a: {  	v9 =	vadd.s32 $0x80, v9;
	v14 =	vld.idx.msk [tilespmem:v10+s16+$0x0], $0xffff  }
0x6b: {  	v10 =	vadd.s32 $0x80, v10  }
0x6c: {  	v15 =	vld.idx.msk [tilespmem:v11+s16+$0x0], $0xffff;
	[tilespmem:s0+$0x110] =	vst v12  }
0x6d: {  	v11 =	vadd.s32 $0x80, v11;
	v8 =	vld.idx.msk [tilespmem:v8+s16+$0x0], $0xffff  }
0x6e: {  	[tilespmem:s0+$0xFFFFFE10] =	vst v13  }
0x6f: {  	[tilespmem:s0+$0xFFFFFF10] =	vst v14;
	v9 =	vld.idx.msk [tilespmem:v9+s16+$0x0], $0xffff  }
0x70: {  	v10 =	vld.idx.msk [tilespmem:v10+s16+$0x0], $0xffff  }
0x71: {  	[tilespmem:s0+$0x10] =	vst v15  }
0x72: {  	v11 =	vld.idx.msk [tilespmem:v11+s16+$0x0], $0xffff;
	[tilespmem:s0+$0x190] =	vst v8  }
0x73: {  	v8 =	vld [tilespmem:s4+$0xA0]  }
0x74: {  	[tilespmem:s0+$0xFFFFFE90] =	vst v9  }
0x75: {  	[tilespmem:s0+$0xFFFFFF90] =	vst v10;
	v9 =	vld [tilespmem:s4+$0xFFFFFF20]  }
0x76: {  	v10 =	vld [tilespmem:s4+$0xFFFFFFA0]  }
0x77: {  	[tilespmem:s0+$0x90] =	vst v11  }
0x78: {  	v11 =	vld [tilespmem:s4+$0x20];
	_ =	sdelay $0x2  }
0x79: {  	v12 =	vld.idx.msk [tilespmem:v8+s16+$0x0], $0xffff  }
0x7a: {  	v8 =	vadd.s32 $0x80, v8  }
0x7b: {  	v13 =	vld.idx.msk [tilespmem:v9+s16+$0x0], $0xffff  }
0x7c: {  	v9 =	vadd.s32 $0x80, v9;
	v14 =	vld.idx.msk [tilespmem:v10+s16+$0x0], $0xffff  }
0x7d: {  	v10 =	vadd.s32 $0x80, v10  }
0x7e: {  	v15 =	vld.idx.msk [tilespmem:v11+s16+$0x0], $0xffff;
	[tilespmem:s0+$0x120] =	vst v12  }
0x7f: {  	v11 =	vadd.s32 $0x80, v11;
	v8 =	vld.idx.msk [tilespmem:v8+s16+$0x0], $0xffff  }
0x80: {  	[tilespmem:s0+$0xFFFFFE20] =	vst v13  }
0x81: {  	[tilespmem:s0+$0xFFFFFF20] =	vst v14;
	v9 =	vld.idx.msk [tilespmem:v9+s16+$0x0], $0xffff  }
0x82: {  	v10 =	vld.idx.msk [tilespmem:v10+s16+$0x0], $0xffff  }
0x83: {  	[tilespmem:s0+$0x20] =	vst v15  }
0x84: {  	v11 =	vld.idx.msk [tilespmem:v11+s16+$0x0], $0xffff;
	[tilespmem:s0+$0x1A0] =	vst v8  }
0x85: {  	v8 =	vld [tilespmem:s4+$0xB0]  }
0x86: {  	[tilespmem:s0+$0xFFFFFEA0] =	vst v9  }
0x87: {  	[tilespmem:s0+$0xFFFFFFA0] =	vst v10;
	v9 =	vld [tilespmem:s4+$0xFFFFFF30]  }
0x88: {  	v10 =	vld [tilespmem:s4+$0xFFFFFFB0]  }
0x89: {  	[tilespmem:s0+$0xA0] =	vst v11  }
0x8a: {  	v11 =	vld [tilespmem:s4+$0x30];
	_ =	sdelay $0x2  }
0x8b: {  	v12 =	vld.idx.msk [tilespmem:v8+s16+$0x0], $0xffff  }
0x8c: {  	v8 =	vadd.s32 $0x80, v8  }
0x8d: {  	v13 =	vld.idx.msk [tilespmem:v9+s16+$0x0], $0xffff  }
0x8e: {  	v9 =	vadd.s32 $0x80, v9;
	v14 =	vld.idx.msk [tilespmem:v10+s16+$0x0], $0xffff  }
0x8f: {  	v10 =	vadd.s32 $0x80, v10  }
0x90: {  	v15 =	vld.idx.msk [tilespmem:v11+s16+$0x0], $0xffff;
	[tilespmem:s0+$0x130] =	vst v12  }
0x91: {  	s3 =	simm.s32 $0x300;
	v11 =	vadd.s32 $0x80, v11;
	v8 =	vld.idx.msk [tilespmem:v8+s16+$0x0], $0xffff  }
0x92: {  	v16 =	vld [tilespmem:s3+$0xFFFFFF00];
	[tilespmem:s0+$0xFFFFFE30] =	vst v13  }
0x93: {  	[tilespmem:s0+$0xFFFFFF30] =	vst v14;
	v9 =	vld.idx.msk [tilespmem:v9+s16+$0x0], $0xffff  }
0x94: {  	v10 =	vld.idx.msk [tilespmem:v10+s16+$0x0], $0xffff  }
0x95: {  	[tilespmem:s0+$0x30] =	vst v15;
	v12 =	vld [tilespmem:s3+$0x80]  }
0x96: {  	v11 =	vld.idx.msk [tilespmem:v11+s16+$0x0], $0xffff;
	[tilespmem:s0+$0x1B0] =	vst v8  }
0x97: {  	v8 =	vld [tilespmem:s4+$0xC0]  }
0x98: {  	v15 =	vld [tilespmem:s3+$0x0];
	[tilespmem:s0+$0xFFFFFEB0] =	vst v9  }
0x99: {  	[tilespmem:s0+$0xFFFFFFB0] =	vst v10;
	v9 =	vld [tilespmem:s4+$0xFFFFFF40]  }
0x9a: {  	v10 =	vld [tilespmem:s4+$0xFFFFFFC0]  }
0x9b: {  	v13 =	vld [tilespmem:s3+$0xFFFFFF80];
	[tilespmem:s0+$0xB0] =	vst v11  }
0x9c: {  	v11 =	vld [tilespmem:s4+$0x40]  }
0x9d: {  	v20 =	vld.idx.msk [tilespmem:v12+s16+$0x0], $0xffff  }
0x9e: {  	v43 =	vld.idx.msk [tilespmem:v16+s16+$0x0], $0xffff;
	v12 =	vadd.s32 $0x80, v12  }
0x9f: {  	v14 =	vld.idx.msk [tilespmem:v8+s16+$0x0], $0xffff  }
0xa0: {  	v21 =	vld.idx.msk [tilespmem:v15+s16+$0x0], $0xffff  }
0xa1: {  	s20 =	simm.s32 $0x1B200;
	v8 =	vadd.s32 $0x80, v8;
	v17 =	vld.idx.msk [tilespmem:v9+s16+$0x0], $0xffff  }
0xa2: {  	[tilespmem:s20+$0x100] =	vst v20;
	v18 =	vld.idx.msk [tilespmem:v10+s16+$0x0], $0xffff;
	v9 =	vadd.s32 $0x80, v9  }
0xa3: {  	v12 =	vld.idx.msk [tilespmem:v12+s16+$0x0], $0xffff;
	v10 =	vadd.s32 $0x80, v10  }
0xa4: {  	v15 =	vadd.s32 $0x80, v15;
	[tilespmem:s0+$0x140] =	vst v14;
	v14 =	vld.idx.msk [tilespmem:v13+s16+$0x0], $0xffff  }
0xa5: {  	v16 =	vadd.s32 $0x80, v16;
	[tilespmem:s20+$0xFFFFFE00] =	vst v43;
	v19 =	vld.idx.msk [tilespmem:v11+s16+$0x0], $0xffff  }
0xa6: {  	[tilespmem:s0+$0xFFFFFE40] =	vst v17;
	v8 =	vld.idx.msk [tilespmem:v8+s16+$0x0], $0xffff  }
0xa7: {  	v13 =	vadd.s32 $0x80, v13;
	[tilespmem:s0+$0xFFFFFF40] =	vst v18;
	v9 =	vld.idx.msk [tilespmem:v9+s16+$0x0], $0xffff  }
0xa8: {  	[tilespmem:s20+$0x0] =	vst v21;
	v11 =	vadd.s32 $0x80, v11;
	v10 =	vld.idx.msk [tilespmem:v10+s16+$0x0], $0xffff  }
0xa9: {  	[tilespmem:s20+$0xFFFFFF00] =	vst v14;
	v14 =	vld.idx.msk [tilespmem:v15+s16+$0x0], $0xffff  }
0xaa: {  	[tilespmem:s20+$0x180] =	vst v12;
	v15 =	vld.idx.msk [tilespmem:v16+s16+$0x0], $0xffff  }
0xab: {  	[tilespmem:s0+$0x40] =	vst v19  }
0xac: {  	[tilespmem:s0+$0x1C0] =	vst v8;
	v13 =	vld.idx.msk [tilespmem:v13+s16+$0x0], $0xffff  }
0xad: {  	[tilespmem:s0+$0xFFFFFEC0] =	vst v9;
	v9 =	vld.idx.msk [tilespmem:v11+s16+$0x0], $0xffff  }
0xae: {  	[tilespmem:s0+$0xFFFFFFC0] =	vst v10;
	v10 =	vld [tilespmem:s3+$0x90]  }
0xaf: {  	v8 =	vld [tilespmem:s4+$0xD0];
	[tilespmem:s20+$0xFFFFFE80] =	vst v15  }
0xb0: {  	v11 =	vld [tilespmem:s4+$0xFFFFFF50];
	[tilespmem:s20+$0x80] =	vst v14  }
0xb1: {  	[tilespmem:s20+$0xFFFFFF80] =	vst v13;
	v14 =	vld [tilespmem:s3+$0xFFFFFF10]  }
0xb2: {  	[tilespmem:s0+$0xC0] =	vst v9;
	v9 =	vld [tilespmem:s3+$0x10]  }
0xb3: {  	v15 =	vld [tilespmem:s3+$0xFFFFFF90]  }
0xb4: {  	v12 =	vld [tilespmem:s4+$0xFFFFFFD0]  }
0xb5: {  	v44 =	vld [tilespmem:s4+$0x50]  }
0xb6: {  	v46 =	vld.idx.msk [tilespmem:v10+s16+$0x0], $0xffff  }
0xb7: {  	v10 =	vadd.s32 $0x80, v10;
	v13 =	vld.idx.msk [tilespmem:v8+s16+$0x0], $0xffff  }
0xb8: {  	v8 =	vadd.s32 $0x80, v8;
	v45 =	vld.idx.msk [tilespmem:v11+s16+$0x0], $0xffff  }
0xb9: {  	v48 =	vld.idx.msk [tilespmem:v14+s16+$0x0], $0xffff  }
0xba: {  	v21 =	vld.idx.msk [tilespmem:v9+s16+$0x0], $0xffff  }
0xbb: {  	v14 =	vadd.s32 $0x80, v14;
	[tilespmem:s20+$0x110] =	vst v46;
	v47 =	vld.idx.msk [tilespmem:v15+s16+$0x0], $0xffff  }
0xbc: {  	v9 =	vadd.s32 $0x80, v9;
	[tilespmem:s0+$0x150] =	vst v13;
	v10 =	vld.idx.msk [tilespmem:v10+s16+$0x0], $0xffff  }
0xbd: {  	v15 =	vadd.s32 $0x80, v15;
	v8 =	vld.idx.msk [tilespmem:v8+s16+$0x0], $0xffff  }
0xbe: {  	v13 =	vld.idx.msk [tilespmem:v12+s16+$0x0], $0xffff;
	[tilespmem:s20+$0xFFFFFE10] =	vst v48  }
0xbf: {  	v49 =	vld.idx.msk [tilespmem:v44+s16+$0x0], $0xffff;
	[tilespmem:s20+$0x10] =	vst v21  }
0xc0: {  	v11 =	vadd.s32 $0x80, v11;
	[tilespmem:s20+$0xFFFFFF10] =	vst v47;
	v14 =	vld.idx.msk [tilespmem:v14+s16+$0x0], $0xffff  }
0xc1: {  	v16 =	vadd.s32 $0x80, v44;
	v9 =	vld.idx.msk [tilespmem:v9+s16+$0x0], $0xffff;
	[tilespmem:s20+$0x190] =	vst v10  }
0xc2: {  	[tilespmem:s0+$0x1D0] =	vst v8;
	v8 =	vadd.s32 $0x80, v12;
	v15 =	vld.idx.msk [tilespmem:v15+s16+$0x0], $0xffff  }
0xc3: {  	v10 =	vld [tilespmem:s3+$0xA0]  }
0xc4: {  	[tilespmem:s0+$0xFFFFFE50] =	vst v45;
	v12 =	vld [tilespmem:s4+$0xE0]  }
0xc5: {  	v11 =	vld.idx.msk [tilespmem:v11+s16+$0x0], $0xffff;
	[tilespmem:s0+$0x50] =	vst v49  }
0xc6: {  	[tilespmem:s0+$0xFFFFFF50] =	vst v13;
	v13 =	vld.idx.msk [tilespmem:v16+s16+$0x0], $0xffff  }
0xc7: {  	[tilespmem:s20+$0xFFFFFE90] =	vst v14;
	v8 =	vld.idx.msk [tilespmem:v8+s16+$0x0], $0xffff  }
0xc8: {  	[tilespmem:s20+$0xFFFFFF90] =	vst v15;
	v50 =	vld [tilespmem:s3+$0xFFFFFF20]  }
0xc9: {  	[tilespmem:s20+$0x90] =	vst v9;
	v14 =	vld [tilespmem:s3+$0xFFFFFFA0]  }
0xca: {  	[tilespmem:s0+$0xFFFFFED0] =	vst v11;
	v11 =	vld [tilespmem:s3+$0x20]  }
0xcb: {  	v51 =	vld.idx.msk [tilespmem:v10+s16+$0x0], $0xffff  }
0xcc: {  	v15 =	vld.idx.msk [tilespmem:v12+s16+$0x0], $0xffff  }
0xcd: {  	[tilespmem:s0+$0xFFFFFFD0] =	vst v8;
	v8 =	vld [tilespmem:s4+$0xFFFFFF60]  }
0xce: {  	[tilespmem:s0+$0xD0] =	vst v13;
	v9 =	vadd.s32 $0x80, v12;
	v10 =	vadd.s32 $0x80, v10;
	v12 =	vld [tilespmem:s4+$0xFFFFFFE0]  }
0xcf: {  	v13 =	vld [tilespmem:s4+$0x60]  }
0xd0: {  	v52 =	vld.idx.msk [tilespmem:v50+s16+$0x0], $0xffff  }
0xd1: {  	[tilespmem:s0+$0x160] =	vst v15;
	v15 =	vld.idx.msk [tilespmem:v14+s16+$0x0], $0xffff  }
0xd2: {  	v16 =	vadd.s32 $0x80, v50;
	v53 =	vld.idx.msk [tilespmem:v11+s16+$0x0], $0xffff;
	[tilespmem:s20+$0x120] =	vst v51  }
0xd3: {  	v11 =	vadd.s32 $0x80, v11;
	v10 =	vld.idx.msk [tilespmem:v10+s16+$0x0], $0xffff  }
0xd4: {  	v14 =	vadd.s32 $0x80, v14;
	v9 =	vld.idx.msk [tilespmem:v9+s16+$0x0], $0xffff  }
0xd5: {  	v54 =	vld.idx.msk [tilespmem:v8+s16+$0x0], $0xffff;
	[tilespmem:s20+$0xFFFFFE20] =	vst v52  }
0xd6: {  	[tilespmem:s20+$0xFFFFFF20] =	vst v15;
	v15 =	vld.idx.msk [tilespmem:v12+s16+$0x0], $0xffff  }
0xd7: {  	[tilespmem:s20+$0x20] =	vst v53;
	v16 =	vld.idx.msk [tilespmem:v16+s16+$0x0], $0xffff  }
0xd8: {  	v8 =	vadd.s32 $0x80, v8;
	v11 =	vld.idx.msk [tilespmem:v11+s16+$0x0], $0xffff  }
0xd9: {  	[tilespmem:s20+$0x1A0] =	vst v10;
	v14 =	vld.idx.msk [tilespmem:v14+s16+$0x0], $0xffff  }
0xda: {  	v10 =	vadd.s32 $0x80, v12;
	[tilespmem:s0+$0x1E0] =	vst v9;
	v12 =	vld [tilespmem:s3+$0xB0]  }
0xdb: {  	v9 =	vld [tilespmem:s4+$0xF0]  }
0xdc: {  	v55 =	vld.idx.msk [tilespmem:v13+s16+$0x0], $0xffff;
	[tilespmem:s0+$0xFFFFFE60] =	vst v54  }
0xdd: {  	v8 =	vld.idx.msk [tilespmem:v8+s16+$0x0], $0xffff;
	[tilespmem:s20+$0xFFFFFEA0] =	vst v16  }
0xde: {  	[tilespmem:s20+$0xA0] =	vst v11;
	v16 =	vld [tilespmem:s3+$0xFFFFFF30]  }
0xdf: {  	v13 =	vadd.s32 $0x80, v13;
	[tilespmem:s20+$0xFFFFFFA0] =	vst v14;
	v11 =	vld [tilespmem:s3+$0x30]  }
0xe0: {  	[tilespmem:s0+$0xFFFFFF60] =	vst v15;
	v14 =	vld [tilespmem:s3+$0xFFFFFFB0]  }
0xe1: {  	v10 =	vld.idx.msk [tilespmem:v10+s16+$0x0], $0xffff  }
0xe2: {  	v56 =	vld.idx.msk [tilespmem:v12+s16+$0x0], $0xffff  }
0xe3: {  	[tilespmem:s0+$0x60] =	vst v55;
	v15 =	vld.idx.msk [tilespmem:v9+s16+$0x0], $0xffff  }
0xe4: {  	[tilespmem:s0+$0xFFFFFEE0] =	vst v8;
	v8 =	vld.idx.msk [tilespmem:v13+s16+$0x0], $0xffff  }
0xe5: {  	v12 =	vadd.s32 $0x80, v12;
	v13 =	vld [tilespmem:s4+$0xFFFFFF70]  }
0xe6: {  	v58 =	vld.idx.msk [tilespmem:v16+s16+$0x0], $0xffff  }
0xe7: {  	v9 =	vadd.s32 $0x80, v9;
	[tilespmem:s0+$0xFFFFFFE0] =	vst v10;
	v10 =	vld.idx.msk [tilespmem:v11+s16+$0x0], $0xffff  }
0xe8: {  	[tilespmem:s20+$0x130] =	vst v56;
	v57 =	vld.idx.msk [tilespmem:v14+s16+$0x0], $0xffff  }
0xe9: {  	v14 =	vadd.s32 $0x80, v14;
	[tilespmem:s0+$0xE0] =	vst v8;
	v8 =	vld [tilespmem:s4+$0xFFFFFFF0]  }
0xea: {  	[tilespmem:s0+$0x170] =	vst v15;
	v15 =	vadd.s32 $0x80, v16;
	v12 =	vld.idx.msk [tilespmem:v12+s16+$0x0], $0xffff  }
0xeb: {  	v11 =	vadd.s32 $0x80, v11;
	v59 =	vld [tilespmem:s4+$0x70]  }
0xec: {  	v9 =	vld.idx.msk [tilespmem:v9+s16+$0x0], $0xffff  }
0xed: {  	v60 =	vld.idx.msk [tilespmem:v13+s16+$0x0], $0xffff;
	[tilespmem:s20+$0xFFFFFF30] =	vst v57  }
0xee: {  	[tilespmem:s20+$0xFFFFFE30] =	vst v58;
	v14 =	vld.idx.msk [tilespmem:v14+s16+$0x0], $0xffff  }
0xef: {  	[tilespmem:s20+$0x30] =	vst v10;
	v15 =	vld.idx.msk [tilespmem:v15+s16+$0x0], $0xffff  }
0xf0: {  	v10 =	vld.idx.msk [tilespmem:v11+s16+$0x0], $0xffff;
	[tilespmem:s20+$0x1B0] =	vst v12  }
0xf1: {  	v61 =	vadd.s32 $0x80, v13;
	v13 =	vld [tilespmem:s3+$0xC0]  }
0xf2: {  	[tilespmem:s0+$0x1F0] =	vst v9;
	v9 =	vld.idx.msk [tilespmem:v8+s16+$0x0], $0xffff  }
0xf3: {  	v63 =	vadd.s32 $0x80, v8;
	v62 =	vld.idx.msk [tilespmem:v59+s16+$0x0], $0xffff;
	[tilespmem:s20+$0xFFFFFFB0] =	vst v14  }
0xf4: {  	[tilespmem:s20+$0xFFFFFEB0] =	vst v15;
	v11 =	vld [tilespmem:s3+$0xFFFFFFC0]  }
0xf5: {  	[tilespmem:s20+$0xB0] =	vst v10;
	v14 =	vld [tilespmem:s3+$0xFFFFFF40]  }
0xf6: {  	[tilespmem:s0+$0xFFFFFE70] =	vst v60;
	v12 =	vld [tilespmem:s3+$0x40]  }
0xf7: {  	s30 =	sshll.u32 s29, $0x1;
	v10 =	vld.idx.msk [tilespmem:v61+s16+$0x0], $0xffff;
	[tilespmem:s0+$0xFFFFFF70] =	vst v9  }
0xf8: {  	s17 =	simm.s32 $0x4;
	s21 =	simm.s32 $0x1B200;
	s4 =	simm.s32 $0x500;
	v8 =	vadd.s32 $0x80, v59;
	v9 =	vld.idx.msk [tilespmem:v63+s16+$0x0], $0xffff;
	[tilespmem:s0+$0x70] =	vst v62  }
.LBB2_5:
0xf9: {  	v15 =	vld [tilespmem:s4+$0x80];
	v16 =	vadd.s32 $0x80, v11  }
0xfa: {  	v17 =	vld [tilespmem:s4+$0xFFFFFF80];
	v18 =	vadd.s32 $0x80, v14  }
0xfb: {  	s17 =	sadd.s32 $0x4, s17;
	v19 =	vadd.s32 $0x80, v12;
	v20 =	vld.idx.msk [tilespmem:v13+s16+$0x0], $0xffff  }
0xfc: {  	p0 =	slt.u32 s17, $0x2C;
	v21 =	vld [tilespmem:s4+$0x0]  }
0xfd: {  	v13 =	vadd.s32 $0x80, v13;
	v22 =	vld [tilespmem:s4+$0xFFFFFF00];
	[tilespmem:s0+$0xFFFFFEF0] =	vst v10  }
0xfe: {  	v10 =	vld.idx.msk [tilespmem:v14+s16+$0x0], $0xffff;
	[tilespmem:s0+$0xFFFFFFF0] =	vst v9  }
0xff: {  	v9 =	vadd.s32 $0x80, v17;
	v11 =	vld.idx.msk [tilespmem:v11+s16+$0x0], $0xffff  }
0x100: {  	v12 =	vld.idx.msk [tilespmem:v12+s16+$0x0], $0xffff  }
0x101: {  	v14 =	vadd.s32 $0x80, v21;
	v23 =	vld.idx.msk [tilespmem:v15+s16+$0x0], $0xffff;
	[tilespmem:s20+$0x140] =	vst v20  }
0x102: {  	v20 =	vadd.s32 $0x80, v22;
	v13 =	vld.idx.msk [tilespmem:v13+s16+$0x0], $0xffff  }
0x103: {  	v15 =	vadd.s32 $0x80, v15;
	v17 =	vld.idx.msk [tilespmem:v17+s16+$0x0], $0xffff  }
0x104: {  	v21 =	vld.idx.msk [tilespmem:v21+s16+$0x0], $0xffff;
	[tilespmem:s20+$0xFFFFFE40] =	vst v10  }
0x105: {  	v10 =	vld.idx.msk [tilespmem:v22+s16+$0x0], $0xffff;
	[tilespmem:s20+$0xFFFFFF40] =	vst v11  }
0x106: {  	s20 =	sadd.s32 $0x400, s20;
	v11 =	vld.idx.msk [tilespmem:v18+s16+$0x0], $0xffff;
	[tilespmem:s21+$0x40] =	vst v12  }
0x107: {  	[tilespmem:s20+$0x100] =	vst v23;
	v12 =	vld.idx.msk [tilespmem:v16+s16+$0x0], $0xffff  }
0x108: {  	v15 =	vld.idx.msk [tilespmem:v15+s16+$0x0], $0xffff;
	[tilespmem:s21+$0x1C0] =	vst v13  }
0x109: {  	[tilespmem:s20+$0xFFFFFF00] =	vst v17;
	v13 =	vld [tilespmem:s3+$0xD0]  }
0x10a: {  	v9 =	vld.idx.msk [tilespmem:v9+s16+$0x0], $0xffff;
	[tilespmem:s20+$0x0] =	vst v21  }
0x10b: {  	[tilespmem:s20+$0xFFFFFE00] =	vst v10;
	v10 =	vld.idx.msk [tilespmem:v14+s16+$0x0], $0xffff  }
0x10c: {  	v14 =	vld.idx.msk [tilespmem:v20+s16+$0x0], $0xffff;
	[tilespmem:s21+$0xFFFFFEC0] =	vst v11  }
0x10d: {  	[tilespmem:s21+$0xFFFFFFC0] =	vst v12;
	v11 =	vld.idx.msk [tilespmem:v19+s16+$0x0], $0xffff  }
0x10e: {  	[tilespmem:s20+$0x180] =	vst v15;
	v12 =	vld [tilespmem:s3+$0xFFFFFF50]  }
0x10f: {  	v15 =	vld [tilespmem:s4+$0x90]  }
0x110: {  	[tilespmem:s20+$0xFFFFFF80] =	vst v9;
	v9 =	vld [tilespmem:s3+$0xFFFFFFD0]  }
0x111: {  	[tilespmem:s20+$0x80] =	vst v10;
	v10 =	vld.idx.msk [tilespmem:v13+s16+$0x0], $0xffff  }
0x112: {  	[tilespmem:s20+$0xFFFFFE80] =	vst v14;
	v14 =	vld [tilespmem:s4+$0xFFFFFF90]  }
0x113: {  	v16 =	vld [tilespmem:s4+$0xFFFFFF10];
	v17 =	vadd.s32 $0x80, v12;
	[tilespmem:s21+$0xC0] =	vst v11;
	v11 =	vadd.s32 $0x80, v13  }
0x114: {  	v13 =	vld [tilespmem:s4+$0x10]  }
0x115: {  	v18 =	vadd.s32 $0x80, v9;
	v19 =	vld [tilespmem:s3+$0x50]  }
0x116: {  	v12 =	vld.idx.msk [tilespmem:v12+s16+$0x0], $0xffff  }
0x117: {  	v20 =	vadd.s32 $0x80, v14;
	v21 =	vld.idx.msk [tilespmem:v15+s16+$0x0], $0xffff;
	[tilespmem:s21+$0x150] =	vst v10  }
0x118: {  	v10 =	vadd.s32 $0x80, v16;
	v11 =	vld.idx.msk [tilespmem:v11+s16+$0x0], $0xffff  }
0x119: {  	v15 =	vadd.s32 $0x80, v15;
	v22 =	vadd.s32 $0x80, v13;
	v9 =	vld.idx.msk [tilespmem:v9+s16+$0x0], $0xffff  }
0x11a: {  	v14 =	vld.idx.msk [tilespmem:v14+s16+$0x0], $0xffff;
	v23 =	vadd.s32 $0x80, v19  }
0x11b: {  	v16 =	vld.idx.msk [tilespmem:v16+s16+$0x0], $0xffff  }
0x11c: {  	v13 =	vld.idx.msk [tilespmem:v13+s16+$0x0], $0xffff;
	[tilespmem:s21+$0xFFFFFE50] =	vst v12  }
0x11d: {  	[tilespmem:s20+$0x110] =	vst v21;
	v12 =	vld.idx.msk [tilespmem:v19+s16+$0x0], $0xffff  }
0x11e: {  	v15 =	vld.idx.msk [tilespmem:v15+s16+$0x0], $0xffff;
	[tilespmem:s21+$0x1D0] =	vst v11  }
0x11f: {  	[tilespmem:s21+$0xFFFFFF50] =	vst v9;
	v9 =	vld [tilespmem:s3+$0xE0]  }
0x120: {  	[tilespmem:s20+$0xFFFFFF10] =	vst v14;
	v11 =	vld.idx.msk [tilespmem:v17+s16+$0x0], $0xffff  }
0x121: {  	[tilespmem:s20+$0xFFFFFE10] =	vst v16;
	v14 =	vld.idx.msk [tilespmem:v20+s16+$0x0], $0xffff  }
0x122: {  	v10 =	vld.idx.msk [tilespmem:v10+s16+$0x0], $0xffff;
	[tilespmem:s20+$0x10] =	vst v13  }
0x123: {  	v13 =	vld.idx.msk [tilespmem:v22+s16+$0x0], $0xffff;
	[tilespmem:s21+$0x50] =	vst v12  }
0x124: {  	[tilespmem:s20+$0x190] =	vst v15;
	v12 =	vld.idx.msk [tilespmem:v18+s16+$0x0], $0xffff  }
0x125: {  	v15 =	vld [tilespmem:s4+$0xA0]  }
0x126: {  	[tilespmem:s21+$0xFFFFFED0] =	vst v11;
	v11 =	vld.idx.msk [tilespmem:v23+s16+$0x0], $0xffff  }
0x127: {  	[tilespmem:s20+$0xFFFFFF90] =	vst v14;
	v14 =	vld.idx.msk [tilespmem:v9+s16+$0x0], $0xffff  }
0x128: {  	[tilespmem:s20+$0xFFFFFE90] =	vst v10;
	v10 =	vld [tilespmem:s4+$0xFFFFFFA0]  }
0x129: {  	v9 =	vadd.s32 $0x80, v9;
	v16 =	vld [tilespmem:s4+$0xFFFFFF20];
	[tilespmem:s20+$0x90] =	vst v13  }
0x12a: {  	v13 =	vld [tilespmem:s4+$0x20];
	[tilespmem:s21+$0xFFFFFFD0] =	vst v12  }
0x12b: {  	v12 =	vld [tilespmem:s3+$0xFFFFFF60]  }
0x12c: {  	v17 =	vld [tilespmem:s3+$0xFFFFFFE0];
	[tilespmem:s21+$0xD0] =	vst v11  }
0x12d: {  	v11 =	vadd.s32 $0x80, v10;
	v18 =	vld.idx.msk [tilespmem:v15+s16+$0x0], $0xffff;
	[tilespmem:s21+$0x160] =	vst v14  }
0x12e: {  	v14 =	vadd.s32 $0x80, v16;
	v9 =	vld.idx.msk [tilespmem:v9+s16+$0x0], $0xffff  }
0x12f: {  	v15 =	vadd.s32 $0x80, v15;
	v19 =	vadd.s32 $0x80, v13;
	v20 =	vld [tilespmem:s3+$0x60]  }
0x130: {  	v10 =	vld.idx.msk [tilespmem:v10+s16+$0x0], $0xffff;
	v21 =	vadd.s32 $0x80, v12  }
0x131: {  	v16 =	vld.idx.msk [tilespmem:v16+s16+$0x0], $0xffff;
	v22 =	vadd.s32 $0x80, v17  }
0x132: {  	v13 =	vld.idx.msk [tilespmem:v13+s16+$0x0], $0xffff  }
0x133: {  	[tilespmem:s20+$0x120] =	vst v18;
	v12 =	vld.idx.msk [tilespmem:v12+s16+$0x0], $0xffff  }
0x134: {  	v15 =	vld.idx.msk [tilespmem:v15+s16+$0x0], $0xffff;
	v18 =	vadd.s32 $0x80, v20;
	[tilespmem:s21+$0x1E0] =	vst v9  }
0x135: {  	v9 =	vld [tilespmem:s3+$0xF0]  }
0x136: {  	[tilespmem:s20+$0xFFFFFF20] =	vst v10;
	v10 =	vld.idx.msk [tilespmem:v17+s16+$0x0], $0xffff  }
0x137: {  	[tilespmem:s20+$0xFFFFFE20] =	vst v16;
	v11 =	vld.idx.msk [tilespmem:v11+s16+$0x0], $0xffff  }
0x138: {  	v14 =	vld.idx.msk [tilespmem:v14+s16+$0x0], $0xffff;
	[tilespmem:s20+$0x20] =	vst v13  }
0x139: {  	v13 =	vld.idx.msk [tilespmem:v19+s16+$0x0], $0xffff;
	[tilespmem:s21+$0xFFFFFE60] =	vst v12  }
0x13a: {  	v12 =	vld.idx.msk [tilespmem:v20+s16+$0x0], $0xffff  }
0x13b: {  	[tilespmem:s20+$0x1A0] =	vst v15;
	v15 =	vld.idx.msk [tilespmem:v21+s16+$0x0], $0xffff  }
0x13c: {  	v16 =	vld [tilespmem:s4+$0xB0];
	[tilespmem:s21+$0xFFFFFF60] =	vst v10  }
0x13d: {  	[tilespmem:s20+$0xFFFFFFA0] =	vst v11;
	v10 =	vld.idx.msk [tilespmem:v9+s16+$0x0], $0xffff  }
0x13e: {  	[tilespmem:s20+$0xFFFFFEA0] =	vst v14;
	v11 =	vld [tilespmem:s4+$0xFFFFFFB0]  }
0x13f: {  	v9 =	vadd.s32 $0x80, v9;
	v14 =	vld [tilespmem:s4+$0xFFFFFF30];
	[tilespmem:s20+$0xA0] =	vst v13  }
0x140: {  	v13 =	vld [tilespmem:s4+$0x30];
	[tilespmem:s21+$0x60] =	vst v12  }
0x141: {  	[tilespmem:s21+$0xFFFFFEE0] =	vst v15;
	v12 =	vld.idx.msk [tilespmem:v22+s16+$0x0], $0xffff  }
0x142: {  	v15 =	vld.idx.msk [tilespmem:v18+s16+$0x0], $0xffff  }
0x143: {  	v17 =	vadd.s32 $0x80, v11;
	v18 =	vld [tilespmem:s3+$0xFFFFFF70];
	[tilespmem:s21+$0x170] =	vst v10  }
0x144: {  	v10 =	vadd.s32 $0x80, v14;
	v9 =	vld.idx.msk [tilespmem:v9+s16+$0x0], $0xffff  }
0x145: {  	v19 =	vadd.s32 $0x80, v13;
	v20 =	vld.idx.msk [tilespmem:v16+s16+$0x0], $0xffff  }
0x146: {  	v11 =	vld.idx.msk [tilespmem:v11+s16+$0x0], $0xffff  }
0x147: {  	v16 =	vadd.s32 $0x80, v16;
	v14 =	vld.idx.msk [tilespmem:v14+s16+$0x0], $0xffff;
	[tilespmem:s21+$0xFFFFFFE0] =	vst v12  }
0x148: {  	v12 =	vld.idx.msk [tilespmem:v13+s16+$0x0], $0xffff;
	v21 =	vadd.s32 $0x80, v18;
	[tilespmem:s21+$0xE0] =	vst v15  }
0x149: {  	v13 =	vld [tilespmem:s3+$0xFFFFFFF0]  }
0x14a: {  	v15 =	vld [tilespmem:s3+$0x70];
	[tilespmem:s21+$0x1F0] =	vst v9;
	s3 =	smov.u32 s4  }
0x14b: {  	[tilespmem:s20+$0x130] =	vst v20;
	v9 =	vld.idx.msk [tilespmem:v18+s16+$0x0], $0xffff  }
0x14c: {  	[tilespmem:s20+$0xFFFFFF30] =	vst v11;
	v11 =	vld.idx.msk [tilespmem:v16+s16+$0x0], $0xffff  }
0x14d: {  	[tilespmem:s20+$0xFFFFFE30] =	vst v14;
	v14 =	vld.idx.msk [tilespmem:v17+s16+$0x0], $0xffff  }
0x14e: {  	v10 =	vld.idx.msk [tilespmem:v10+s16+$0x0], $0xffff;
	[tilespmem:s20+$0x30] =	vst v12;
	v16 =	vadd.s32 $0x80, v13  }
0x14f: {  	v12 =	vld.idx.msk [tilespmem:v19+s16+$0x0], $0xffff;
	v17 =	vadd.s32 $0x80, v15  }
0x150: {  	v18 =	vld.idx.msk [tilespmem:v8+s16+$0x0], $0xffff;
	v8 =	vmov v17  }
0x151: {  	[tilespmem:s21+$0xFFFFFE70] =	vst v9;
	v9 =	vld.idx.msk [tilespmem:v13+s16+$0x0], $0xffff  }
0x152: {  	[tilespmem:s20+$0x1B0] =	vst v11;
	v15 =	vld.idx.msk [tilespmem:v15+s16+$0x0], $0xffff  }
0x153: {  	[tilespmem:s20+$0xFFFFFFB0] =	vst v14;
	v13 =	vld [tilespmem:s4+$0xC0]  }
.Ltmp3:
0x154: {  	[tilespmem:s20+$0xFFFFFEB0] =	vst v10;
	v11 =	vld [tilespmem:s4+$0xFFFFFFC0];
	(pc) =	sbr.rel @p0 .LBB2_5-.Ltmp3, $4  }
0x155: {  	v14 =	vld [tilespmem:s4+$0xFFFFFF40];
	[tilespmem:s20+$0xB0] =	vst v12  }
0x156: {  	v12 =	vld [tilespmem:s4+$0x40];
	[tilespmem:s0+$0xF0] =	vst v18;
	s0 =	smov.u32 s21;
	s21 =	smov.u32 s20  }
0x157: {  	v10 =	vld.idx.msk [tilespmem:v21+s16+$0x0], $0xffff;
	[tilespmem:s0+$0xFFFFFF70] =	vst v9  }
0x158: {  	s4 =	sadd.s32 $0x200, s4;
	v9 =	vld.idx.msk [tilespmem:v16+s16+$0x0], $0xffff;
	[tilespmem:s0+$0x70] =	vst v15  }
0x159: {  	_ =	sdelay $0x3  }
0x15a: {  	v15 =	vld.idx.msk [tilespmem:v13+s16+$0x0], $0xffff  }
0x15b: {  	v54 =	vadd.s32 $0x80, v13;
	v17 =	vld.idx.msk [tilespmem:v11+s16+$0x0], $0xffff  }
0x15c: {  	v56 =	vadd.s32 $0x80, v11;
	v16 =	vld.idx.msk [tilespmem:v14+s16+$0x0], $0xffff  }
0x15d: {  	v55 =	vadd.s32 $0x80, v14;
	v18 =	vld.idx.msk [tilespmem:v12+s16+$0x0], $0xffff  }
0x15e: {  	v57 =	vadd.s32 $0x80, v12  }
0x15f: {  	[tilespmem:s20+$0x140] =	vst v15  }
0x160: {  	[tilespmem:s20+$0xFFFFFF40] =	vst v17;
	v13 =	vld.idx.msk [tilespmem:v54+s16+$0x0], $0xffff  }
0x161: {  	[tilespmem:s20+$0xFFFFFE40] =	vst v16;
	v11 =	vld.idx.msk [tilespmem:v56+s16+$0x0], $0xffff  }
0x162: {  	v14 =	vld.idx.msk [tilespmem:v55+s16+$0x0], $0xffff;
	[tilespmem:s21+$0x40] =	vst v18  }
0x163: {  	v12 =	vld.idx.msk [tilespmem:v57+s16+$0x0], $0xffff;
	_ =	sdelay $0x1  }
0x164: {  	[tilespmem:s21+$0x1C0] =	vst v13  }
0x165: {  	[tilespmem:s21+$0xFFFFFFC0] =	vst v11;
	v13 =	vld [tilespmem:s3+$0xD0]  }
0x166: {  	[tilespmem:s21+$0xFFFFFEC0] =	vst v14;
	v59 =	vld [tilespmem:s3+$0xFFFFFFD0]  }
0x167: {  	v58 =	vld [tilespmem:s3+$0xFFFFFF50];
	[tilespmem:s21+$0xC0] =	vst v12  }
0x168: {  	v12 =	vld [tilespmem:s3+$0x50];
	_ =	sdelay $0x4  }
0x169: {  	v15 =	vld.idx.msk [tilespmem:v13+s16+$0x0], $0xffff  }
0x16a: {  	v13 =	vadd.s32 $0x80, v13;
	v17 =	vld.idx.msk [tilespmem:v59+s16+$0x0], $0xffff  }
0x16b: {  	v14 =	vadd.s32 $0x80, v59;
	v16 =	vld.idx.msk [tilespmem:v58+s16+$0x0], $0xffff  }
0x16c: {  	v11 =	vadd.s32 $0x80, v58;
	v18 =	vld.idx.msk [tilespmem:v12+s16+$0x0], $0xffff  }
0x16d: {  	v12 =	vadd.s32 $0x80, v12  }
0x16e: {  	[tilespmem:s21+$0x150] =	vst v15  }
0x16f: {  	[tilespmem:s21+$0xFFFFFF50] =	vst v17;
	v13 =	vld.idx.msk [tilespmem:v13+s16+$0x0], $0xffff  }
0x170: {  	[tilespmem:s21+$0xFFFFFE50] =	vst v16;
	v14 =	vld.idx.msk [tilespmem:v14+s16+$0x0], $0xffff  }
0x171: {  	v11 =	vld.idx.msk [tilespmem:v11+s16+$0x0], $0xffff;
	[tilespmem:s21+$0x50] =	vst v18  }
0x172: {  	v12 =	vld.idx.msk [tilespmem:v12+s16+$0x0], $0xffff;
	_ =	sdelay $0x1  }
0x173: {  	[tilespmem:s21+$0x1D0] =	vst v13  }
0x174: {  	[tilespmem:s21+$0xFFFFFFD0] =	vst v14;
	v13 =	vld [tilespmem:s3+$0xE0]  }
0x175: {  	[tilespmem:s21+$0xFFFFFED0] =	vst v11;
	v14 =	vld [tilespmem:s3+$0xFFFFFFE0]  }
0x176: {  	v11 =	vld [tilespmem:s3+$0xFFFFFF60];
	[tilespmem:s21+$0xD0] =	vst v12  }
0x177: {  	v12 =	vld [tilespmem:s3+$0x60];
	_ =	sdelay $0x4  }
0x178: {  	v15 =	vld.idx.msk [tilespmem:v13+s16+$0x0], $0xffff  }
0x179: {  	v13 =	vadd.s32 $0x80, v13;
	v17 =	vld.idx.msk [tilespmem:v14+s16+$0x0], $0xffff  }
0x17a: {  	v14 =	vadd.s32 $0x80, v14;
	v16 =	vld.idx.msk [tilespmem:v11+s16+$0x0], $0xffff  }
0x17b: {  	v11 =	vadd.s32 $0x80, v11;
	v18 =	vld.idx.msk [tilespmem:v12+s16+$0x0], $0xffff  }
0x17c: {  	v12 =	vadd.s32 $0x80, v12  }
0x17d: {  	[tilespmem:s21+$0x160] =	vst v15  }
0x17e: {  	[tilespmem:s21+$0xFFFFFF60] =	vst v17;
	v13 =	vld.idx.msk [tilespmem:v13+s16+$0x0], $0xffff  }
0x17f: {  	[tilespmem:s21+$0xFFFFFE60] =	vst v16;
	v14 =	vld.idx.msk [tilespmem:v14+s16+$0x0], $0xffff  }
0x180: {  	v11 =	vld.idx.msk [tilespmem:v11+s16+$0x0], $0xffff;
	[tilespmem:s21+$0x60] =	vst v18  }
0x181: {  	v12 =	vld.idx.msk [tilespmem:v12+s16+$0x0], $0xffff;
	_ =	sdelay $0x1  }
0x182: {  	[tilespmem:s21+$0x1E0] =	vst v13  }
0x183: {  	[tilespmem:s21+$0xFFFFFFE0] =	vst v14;
	v13 =	vld [tilespmem:s3+$0xF0]  }
0x184: {  	[tilespmem:s21+$0xFFFFFEE0] =	vst v11;
	v60 =	vld [tilespmem:s3+$0xFFFFFFF0]  }
0x185: {  	v11 =	vld [tilespmem:s3+$0xFFFFFF70];
	[tilespmem:s21+$0xE0] =	vst v12  }
0x186: {  	v61 =	vld [tilespmem:s3+$0x70];
	_ =	sdelay $0x4  }
0x187: {  	v15 =	vld.idx.msk [tilespmem:v13+s16+$0x0], $0xffff  }
0x188: {  	v13 =	vadd.s32 $0x80, v13;
	v17 =	vld.idx.msk [tilespmem:v60+s16+$0x0], $0xffff  }
0x189: {  	v12 =	vadd.s32 $0x80, v60;
	v16 =	vld.idx.msk [tilespmem:v11+s16+$0x0], $0xffff  }
0x18a: {  	v11 =	vadd.s32 $0x80, v11;
	v18 =	vld.idx.msk [tilespmem:v61+s16+$0x0], $0xffff  }
0x18b: {  	[tilespmem:s0+$0xFFFFFEF0] =	vst v10;
	v14 =	vadd.s32 $0x80, v61  }
0x18c: {  	v8 =	vld.idx.msk [tilespmem:v8+s16+$0x0], $0xffff;
	[tilespmem:s21+$0x170] =	vst v15  }
0x18d: {  	[tilespmem:s21+$0xFFFFFF70] =	vst v17;
	v62 =	vld.idx.msk [tilespmem:v13+s16+$0x0], $0xffff  }
0x18e: {  	[tilespmem:s21+$0xFFFFFE70] =	vst v16;
	v12 =	vld.idx.msk [tilespmem:v12+s16+$0x0], $0xffff  }
0x18f: {  	v11 =	vld.idx.msk [tilespmem:v11+s16+$0x0], $0xffff;
	[tilespmem:s21+$0x70] =	vst v18  }
0x190: {  	[tilespmem:s0+$0xFFFFFFF0] =	vst v9;
	v63 =	vld.idx.msk [tilespmem:v14+s16+$0x0], $0xffff  }
0x191: {  	[tilespmem:s0+$0xF0] =	vst v8  }
0x192: {  	[tilespmem:s21+$0x1F0] =	vst v62  }
0x193: {  	[tilespmem:s21+$0xFFFFFFF0] =	vst v12  }
0x194: {  	[tilespmem:s21+$0xFFFFFEF0] =	vst v11  }
0x195: {  	s0 =	simm.s32 $0x0;
	s3 =	simm.s32 $0x1DCF0;
	[tilespmem:s21+$0xF0] =	vst v63  }
.LBB2_7:
0x196: {  	s4 =	sshra.s32 s0, $0x2  }
0x197: {  	v8 =	vld [tilespmem:s4+$0x1800];
	_ =	sdelay $0x7  }
0x198: {  	v9 =	vld.idx.msk [tilespmem:v8+s16+$0x0], $0xffff  }
0x199: {  	v8 =	vadd.s32 $0x80, v8;
	_ =	sdelay $0x3  }
0x19a: {  	[tilespmem:s3+$0xFFFFFF10] =	vst v9  }
0x19b: {  	v8 =	vld.idx.msk [tilespmem:v8+s16+$0x0], $0xffff;
	_ =	sdelay $0x4  }
0x19c: {  	[tilespmem:s3+$0xFFFFFF90] =	vst v8  }
0x19d: {  	v8 =	vld [tilespmem:s4+$0x1810];
	_ =	sdelay $0x7  }
0x19e: {  	v9 =	vld.idx.msk [tilespmem:v8+s16+$0x0], $0xffff  }
0x19f: {  	v8 =	vadd.s32 $0x80, v8;
	_ =	sdelay $0x3  }
0x1a0: {  	[tilespmem:s3+$0xFFFFFF20] =	vst v9  }
0x1a1: {  	v8 =	vld.idx.msk [tilespmem:v8+s16+$0x0], $0xffff;
	_ =	sdelay $0x4  }
0x1a2: {  	[tilespmem:s3+$0xFFFFFFA0] =	vst v8  }
0x1a3: {  	v8 =	vld [tilespmem:s4+$0x1820];
	_ =	sdelay $0x7  }
0x1a4: {  	v9 =	vld.idx.msk [tilespmem:v8+s16+$0x0], $0xffff  }
0x1a5: {  	v8 =	vadd.s32 $0x80, v8;
	_ =	sdelay $0x3  }
0x1a6: {  	[tilespmem:s3+$0xFFFFFF30] =	vst v9  }
0x1a7: {  	v8 =	vld.idx.msk [tilespmem:v8+s16+$0x0], $0xffff;
	_ =	sdelay $0x4  }
0x1a8: {  	[tilespmem:s3+$0xFFFFFFB0] =	vst v8  }
0x1a9: {  	v8 =	vld [tilespmem:s4+$0x1830];
	_ =	sdelay $0x7  }
0x1aa: {  	v9 =	vld.idx.msk [tilespmem:v8+s16+$0x0], $0xffff  }
0x1ab: {  	v8 =	vadd.s32 $0x80, v8;
	_ =	sdelay $0x3  }
0x1ac: {  	[tilespmem:s3+$0xFFFFFF40] =	vst v9  }
0x1ad: {  	v8 =	vld.idx.msk [tilespmem:v8+s16+$0x0], $0xffff;
	_ =	sdelay $0x4  }
0x1ae: {  	[tilespmem:s3+$0xFFFFFFC0] =	vst v8  }
0x1af: {  	v8 =	vld [tilespmem:s4+$0x1840];
	_ =	sdelay $0x7  }
0x1b0: {  	v9 =	vld.idx.msk [tilespmem:v8+s16+$0x0], $0xffff  }
0x1b1: {  	v8 =	vadd.s32 $0x80, v8;
	_ =	sdelay $0x3  }
0x1b2: {  	[tilespmem:s3+$0xFFFFFF50] =	vst v9  }
0x1b3: {  	v8 =	vld.idx.msk [tilespmem:v8+s16+$0x0], $0xffff;
	_ =	sdelay $0x4  }
0x1b4: {  	[tilespmem:s3+$0xFFFFFFD0] =	vst v8  }
0x1b5: {  	v8 =	vld [tilespmem:s4+$0x1850];
	_ =	sdelay $0x7  }
0x1b6: {  	v9 =	vld.idx.msk [tilespmem:v8+s16+$0x0], $0xffff  }
0x1b7: {  	v8 =	vadd.s32 $0x80, v8;
	_ =	sdelay $0x3  }
0x1b8: {  	[tilespmem:s3+$0xFFFFFF60] =	vst v9  }
0x1b9: {  	v8 =	vld.idx.msk [tilespmem:v8+s16+$0x0], $0xffff;
	_ =	sdelay $0x4  }
0x1ba: {  	[tilespmem:s3+$0xFFFFFFE0] =	vst v8  }
0x1bb: {  	v8 =	vld [tilespmem:s4+$0x1860];
	_ =	sdelay $0x7  }
0x1bc: {  	v9 =	vld.idx.msk [tilespmem:v8+s16+$0x0], $0xffff  }
0x1bd: {  	v8 =	vadd.s32 $0x80, v8;
	_ =	sdelay $0x3  }
0x1be: {  	[tilespmem:s3+$0xFFFFFF70] =	vst v9  }
0x1bf: {  	v8 =	vld.idx.msk [tilespmem:v8+s16+$0x0], $0xffff;
	_ =	sdelay $0x4  }
0x1c0: {  	[tilespmem:s3+$0xFFFFFFF0] =	vst v8  }
0x1c1: {  	v8 =	vld [tilespmem:s4+$0x1870];
	_ =	sdelay $0x7  }
0x1c2: {  	v9 =	vld.idx.msk [tilespmem:v8+s16+$0x0], $0xffff  }
0x1c3: {  	v8 =	vadd.s32 $0x80, v8;
	_ =	sdelay $0x3  }
0x1c4: {  	[tilespmem:s3+$0xFFFFFF80] =	vst v9  }
0x1c5: {  	p0 =	sne.s32 s0, $0x200;
	v8 =	vld.idx.msk [tilespmem:v8+s16+$0x0], $0xffff  }
.Ltmp4:
0x1c6: {  	_ = 	snop;
	(pc) =	sbr.rel @p0 .LBB2_7-.Ltmp4, $2  }
0x1c7: {  	_ =	sdelay $0x2  }
0x1c8: {  	s0 =	sadd.s32 $0x200, s0;
	[tilespmem:s3+$0x0] =	vst v8;
	s3 =	sadd.s32 $0x100, s3  }
0x1c9: {  	s0 =	sshll.u32 s29, $0x9;
	s3 =	sshll.u32 s29, $0xE  }
0x1ca: {  	s31 =	sand.u32 $0x200, s0;
	s0 =	sand.u32 $0x38000, s3  }
0x1cb: {  	s3 =	sor.u32 s31, s0  }
0x1cc: {  	s3 =	sor.u32 s5, s3  }
0x1cd: {  	s3 =	sshrl.u32 s3, $0x3  }
0x1ce: {  	p0 =	seq.s32 s29, $0xF;
	s3 =	sadd.s32 s2, s3  }
0x1cf: {  	[hbm4b:s3+s14] =	stream.strided.scatter [tilespmem:s24], [sflag:$0x3], $0x3200, s15, s14, $0x38;
	[tilespmem:$0x1DE00] =	vst v63  }
0x1d0: {  	s3 =	sadd.s32 @!p0 $0x2, s30  }
0x1d1: {  	s4 =	sshll.u32 @!p0 s3, $0xD;
	s3 =	sshll.u32 @!p0 s3, $0x8  }
0x1d2: {  	s4 =	sand.u32 @!p0 $0x78000, s4;
	s3 =	sand.u32 @!p0 $0x200, s3  }
0x1d3: {  	s3 =	sor.u32 @!p0 s4, s3  }
0x1d4: {  	s3 =	sor.u32 @!p0 s5, s3  }
0x1d5: {  	s8 =	simm.s32 @!p0 $0x100;
	s3 =	sshrl.u32 @!p0 s3, $0x3  }
0x1d6: {  	s17 =	simm.s32 @!p0 $0x40000;
	s20 =	simm.s32 @!p0 $0x1C00;
	s4 =	sadd.s32 @!p0 s1, s3  }
0x1d7: {  	[tilespmem:s20], [sflag:$0x1] =	stream.strided.gather @!p0 [hbm4b:s4+s8], $0x6400, s17, s8, $0x38;
	[tilespmem:$0x1DE00] =	vst v63  }
0x1d8: {  	s3 =	sadd.s32 @!p0 s3, s6;
	s4 =	simm.s32 @!p0 $0x8000  }
0x1d9: {  	[tilespmem:s4], [sflag:$0x1] =	stream.strided.gather @!p0 [hbm4b:s3+s8], $0x6400, s17, s8, $0x38;
	[tilespmem:$0x1DE00] =	vst v63  }
0x1da: {  	_ =	swait.ge [sflag:s25], $0xC800  }
0x1db: {  	[sflag:s25] =	ssyncset.done $0x0  }
0x1dc: {  	[sflag:s25] =	ssyncadd.s32 $0xFFFF3800  }
0x1dd: {  	_ =	swait.ge [sflag:s26], $0x3200  }
0x1de: {  	[sflag:s26] =	ssyncset.done $0x0  }
0x1df: {  	s17 =	simm.s32 $0x100;
	[sflag:s26] =	ssyncadd.s32 $0xFFFFCE00  }
0x1e0: {  	v8 =	vld [tilespmem:s17+$0x80];
	_ =	sdelay $0x1  }
0x1e1: {  	v9 =	vld [tilespmem:s17+$0xFFFFFF00]  }
0x1e2: {  	v10 =	vld [tilespmem:s17+$0xFFFFFF80];
	_ =	sdelay $0x1  }
0x1e3: {  	v11 =	vld [tilespmem:s17+$0x0];
	_ =	sdelay $0x2  }
0x1e4: {  	v12 =	vld.idx.msk [tilespmem:v8+s18+$0x0], $0xffff  }
0x1e5: {  	v8 =	vadd.s32 $0x80, v8  }
0x1e6: {  	v13 =	vld.idx.msk [tilespmem:v9+s18+$0x0], $0xffff  }
0x1e7: {  	v9 =	vadd.s32 $0x80, v9;
	v14 =	vld.idx.msk [tilespmem:v10+s18+$0x0], $0xffff  }
0x1e8: {  	s3 =	simm.s32 $0x1AE00;
	v10 =	vadd.s32 $0x80, v10  }
0x1e9: {  	v15 =	vld.idx.msk [tilespmem:v11+s18+$0x0], $0xffff;
	[tilespmem:s3+$0x100] =	vst v12  }
0x1ea: {  	v11 =	vadd.s32 $0x80, v11;
	v8 =	vld.idx.msk [tilespmem:v8+s18+$0x0], $0xffff  }
0x1eb: {  	[tilespmem:s3+$0xFFFFFE00] =	vst v13  }
0x1ec: {  	[tilespmem:s3+$0xFFFFFF00] =	vst v14;
	v9 =	vld.idx.msk [tilespmem:v9+s18+$0x0], $0xffff  }
0x1ed: {  	v10 =	vld.idx.msk [tilespmem:v10+s18+$0x0], $0xffff  }
0x1ee: {  	[tilespmem:s3+$0x0] =	vst v15  }
0x1ef: {  	v11 =	vld.idx.msk [tilespmem:v11+s18+$0x0], $0xffff;
	[tilespmem:s3+$0x180] =	vst v8  }
0x1f0: {  	v8 =	vld [tilespmem:s17+$0x90]  }
0x1f1: {  	[tilespmem:s3+$0xFFFFFE80] =	vst v9  }
0x1f2: {  	[tilespmem:s3+$0xFFFFFF80] =	vst v10;
	v9 =	vld [tilespmem:s17+$0xFFFFFF10]  }
0x1f3: {  	v10 =	vld [tilespmem:s17+$0xFFFFFF90]  }
0x1f4: {  	[tilespmem:s3+$0x80] =	vst v11  }
0x1f5: {  	v11 =	vld [tilespmem:s17+$0x10];
	_ =	sdelay $0x2  }
0x1f6: {  	v12 =	vld.idx.msk [tilespmem:v8+s18+$0x0], $0xffff  }
0x1f7: {  	v8 =	vadd.s32 $0x80, v8  }
0x1f8: {  	v13 =	vld.idx.msk [tilespmem:v9+s18+$0x0], $0xffff  }
0x1f9: {  	v9 =	vadd.s32 $0x80, v9;
	v14 =	vld.idx.msk [tilespmem:v10+s18+$0x0], $0xffff  }
0x1fa: {  	v10 =	vadd.s32 $0x80, v10  }
0x1fb: {  	v15 =	vld.idx.msk [tilespmem:v11+s18+$0x0], $0xffff;
	[tilespmem:s3+$0x110] =	vst v12  }
0x1fc: {  	v11 =	vadd.s32 $0x80, v11;
	v8 =	vld.idx.msk [tilespmem:v8+s18+$0x0], $0xffff  }
0x1fd: {  	[tilespmem:s3+$0xFFFFFE10] =	vst v13  }
0x1fe: {  	[tilespmem:s3+$0xFFFFFF10] =	vst v14;
	v9 =	vld.idx.msk [tilespmem:v9+s18+$0x0], $0xffff  }
0x1ff: {  	v10 =	vld.idx.msk [tilespmem:v10+s18+$0x0], $0xffff  }
0x200: {  	[tilespmem:s3+$0x10] =	vst v15  }
0x201: {  	v11 =	vld.idx.msk [tilespmem:v11+s18+$0x0], $0xffff;
	[tilespmem:s3+$0x190] =	vst v8  }
0x202: {  	v8 =	vld [tilespmem:s17+$0xA0]  }
0x203: {  	[tilespmem:s3+$0xFFFFFE90] =	vst v9  }
0x204: {  	[tilespmem:s3+$0xFFFFFF90] =	vst v10;
	v9 =	vld [tilespmem:s17+$0xFFFFFF20]  }
0x205: {  	v10 =	vld [tilespmem:s17+$0xFFFFFFA0]  }
0x206: {  	[tilespmem:s3+$0x90] =	vst v11  }
0x207: {  	v11 =	vld [tilespmem:s17+$0x20];
	_ =	sdelay $0x2  }
0x208: {  	v12 =	vld.idx.msk [tilespmem:v8+s18+$0x0], $0xffff  }
0x209: {  	v8 =	vadd.s32 $0x80, v8  }
0x20a: {  	v13 =	vld.idx.msk [tilespmem:v9+s18+$0x0], $0xffff  }
0x20b: {  	v9 =	vadd.s32 $0x80, v9;
	v14 =	vld.idx.msk [tilespmem:v10+s18+$0x0], $0xffff  }
0x20c: {  	v10 =	vadd.s32 $0x80, v10  }
0x20d: {  	v15 =	vld.idx.msk [tilespmem:v11+s18+$0x0], $0xffff;
	[tilespmem:s3+$0x120] =	vst v12  }
0x20e: {  	v11 =	vadd.s32 $0x80, v11;
	v8 =	vld.idx.msk [tilespmem:v8+s18+$0x0], $0xffff  }
0x20f: {  	[tilespmem:s3+$0xFFFFFE20] =	vst v13  }
0x210: {  	[tilespmem:s3+$0xFFFFFF20] =	vst v14;
	v9 =	vld.idx.msk [tilespmem:v9+s18+$0x0], $0xffff  }
0x211: {  	v10 =	vld.idx.msk [tilespmem:v10+s18+$0x0], $0xffff  }
0x212: {  	[tilespmem:s3+$0x20] =	vst v15  }
0x213: {  	v11 =	vld.idx.msk [tilespmem:v11+s18+$0x0], $0xffff;
	[tilespmem:s3+$0x1A0] =	vst v8  }
0x214: {  	v8 =	vld [tilespmem:s17+$0xB0]  }
0x215: {  	[tilespmem:s3+$0xFFFFFEA0] =	vst v9  }
0x216: {  	[tilespmem:s3+$0xFFFFFFA0] =	vst v10;
	v9 =	vld [tilespmem:s17+$0xFFFFFF30]  }
0x217: {  	v10 =	vld [tilespmem:s17+$0xFFFFFFB0]  }
0x218: {  	[tilespmem:s3+$0xA0] =	vst v11  }
0x219: {  	v11 =	vld [tilespmem:s17+$0x30];
	_ =	sdelay $0x2  }
0x21a: {  	v12 =	vld.idx.msk [tilespmem:v8+s18+$0x0], $0xffff  }
0x21b: {  	v8 =	vadd.s32 $0x80, v8  }
0x21c: {  	v13 =	vld.idx.msk [tilespmem:v9+s18+$0x0], $0xffff  }
0x21d: {  	v9 =	vadd.s32 $0x80, v9;
	v14 =	vld.idx.msk [tilespmem:v10+s18+$0x0], $0xffff  }
0x21e: {  	v10 =	vadd.s32 $0x80, v10  }
0x21f: {  	v15 =	vld.idx.msk [tilespmem:v11+s18+$0x0], $0xffff;
	[tilespmem:s3+$0x130] =	vst v12  }
0x220: {  	s20 =	simm.s32 $0x300;
	v11 =	vadd.s32 $0x80, v11;
	v8 =	vld.idx.msk [tilespmem:v8+s18+$0x0], $0xffff  }
0x221: {  	v16 =	vld [tilespmem:s20+$0xFFFFFF00];
	[tilespmem:s3+$0xFFFFFE30] =	vst v13  }
0x222: {  	[tilespmem:s3+$0xFFFFFF30] =	vst v14;
	v9 =	vld.idx.msk [tilespmem:v9+s18+$0x0], $0xffff  }
0x223: {  	v10 =	vld.idx.msk [tilespmem:v10+s18+$0x0], $0xffff  }
0x224: {  	[tilespmem:s3+$0x30] =	vst v15;
	v12 =	vld [tilespmem:s20+$0x80]  }
0x225: {  	v11 =	vld.idx.msk [tilespmem:v11+s18+$0x0], $0xffff;
	[tilespmem:s3+$0x1B0] =	vst v8  }
0x226: {  	v8 =	vld [tilespmem:s17+$0xC0]  }
0x227: {  	v15 =	vld [tilespmem:s20+$0x0];
	[tilespmem:s3+$0xFFFFFEB0] =	vst v9  }
0x228: {  	[tilespmem:s3+$0xFFFFFFB0] =	vst v10;
	v9 =	vld [tilespmem:s17+$0xFFFFFF40]  }
0x229: {  	v10 =	vld [tilespmem:s17+$0xFFFFFFC0]  }
0x22a: {  	v13 =	vld [tilespmem:s20+$0xFFFFFF80];
	[tilespmem:s3+$0xB0] =	vst v11  }
0x22b: {  	v11 =	vld [tilespmem:s17+$0x40]  }
0x22c: {  	v20 =	vld.idx.msk [tilespmem:v12+s18+$0x0], $0xffff  }
0x22d: {  	v43 =	vld.idx.msk [tilespmem:v16+s18+$0x0], $0xffff;
	v12 =	vadd.s32 $0x80, v12  }
0x22e: {  	v14 =	vld.idx.msk [tilespmem:v8+s18+$0x0], $0xffff  }
0x22f: {  	v21 =	vld.idx.msk [tilespmem:v15+s18+$0x0], $0xffff  }
0x230: {  	s21 =	simm.s32 $0x1B200;
	v8 =	vadd.s32 $0x80, v8;
	v17 =	vld.idx.msk [tilespmem:v9+s18+$0x0], $0xffff  }
0x231: {  	[tilespmem:s21+$0x100] =	vst v20;
	v18 =	vld.idx.msk [tilespmem:v10+s18+$0x0], $0xffff;
	v9 =	vadd.s32 $0x80, v9  }
0x232: {  	v12 =	vld.idx.msk [tilespmem:v12+s18+$0x0], $0xffff;
	v10 =	vadd.s32 $0x80, v10  }
0x233: {  	v15 =	vadd.s32 $0x80, v15;
	[tilespmem:s3+$0x140] =	vst v14;
	v14 =	vld.idx.msk [tilespmem:v13+s18+$0x0], $0xffff  }
0x234: {  	v16 =	vadd.s32 $0x80, v16;
	[tilespmem:s21+$0xFFFFFE00] =	vst v43;
	v19 =	vld.idx.msk [tilespmem:v11+s18+$0x0], $0xffff  }
0x235: {  	[tilespmem:s3+$0xFFFFFE40] =	vst v17;
	v8 =	vld.idx.msk [tilespmem:v8+s18+$0x0], $0xffff  }
0x236: {  	v13 =	vadd.s32 $0x80, v13;
	[tilespmem:s3+$0xFFFFFF40] =	vst v18;
	v9 =	vld.idx.msk [tilespmem:v9+s18+$0x0], $0xffff  }
0x237: {  	[tilespmem:s21+$0x0] =	vst v21;
	v11 =	vadd.s32 $0x80, v11;
	v10 =	vld.idx.msk [tilespmem:v10+s18+$0x0], $0xffff  }
0x238: {  	[tilespmem:s21+$0xFFFFFF00] =	vst v14;
	v14 =	vld.idx.msk [tilespmem:v15+s18+$0x0], $0xffff  }
0x239: {  	[tilespmem:s21+$0x180] =	vst v12;
	v15 =	vld.idx.msk [tilespmem:v16+s18+$0x0], $0xffff  }
0x23a: {  	[tilespmem:s3+$0x40] =	vst v19  }
0x23b: {  	[tilespmem:s3+$0x1C0] =	vst v8;
	v13 =	vld.idx.msk [tilespmem:v13+s18+$0x0], $0xffff  }
0x23c: {  	[tilespmem:s3+$0xFFFFFEC0] =	vst v9;
	v9 =	vld.idx.msk [tilespmem:v11+s18+$0x0], $0xffff  }
0x23d: {  	[tilespmem:s3+$0xFFFFFFC0] =	vst v10;
	v10 =	vld [tilespmem:s20+$0x90]  }
0x23e: {  	v8 =	vld [tilespmem:s17+$0xD0];
	[tilespmem:s21+$0xFFFFFE80] =	vst v15  }
0x23f: {  	v11 =	vld [tilespmem:s17+$0xFFFFFF50];
	[tilespmem:s21+$0x80] =	vst v14  }
0x240: {  	[tilespmem:s21+$0xFFFFFF80] =	vst v13;
	v14 =	vld [tilespmem:s20+$0xFFFFFF10]  }
0x241: {  	[tilespmem:s3+$0xC0] =	vst v9;
	v9 =	vld [tilespmem:s20+$0x10]  }
0x242: {  	v15 =	vld [tilespmem:s20+$0xFFFFFF90]  }
0x243: {  	v12 =	vld [tilespmem:s17+$0xFFFFFFD0]  }
0x244: {  	v44 =	vld [tilespmem:s17+$0x50]  }
0x245: {  	v46 =	vld.idx.msk [tilespmem:v10+s18+$0x0], $0xffff  }
0x246: {  	v10 =	vadd.s32 $0x80, v10;
	v13 =	vld.idx.msk [tilespmem:v8+s18+$0x0], $0xffff  }
0x247: {  	v8 =	vadd.s32 $0x80, v8;
	v45 =	vld.idx.msk [tilespmem:v11+s18+$0x0], $0xffff  }
0x248: {  	v48 =	vld.idx.msk [tilespmem:v14+s18+$0x0], $0xffff  }
0x249: {  	v21 =	vld.idx.msk [tilespmem:v9+s18+$0x0], $0xffff  }
0x24a: {  	v14 =	vadd.s32 $0x80, v14;
	[tilespmem:s21+$0x110] =	vst v46;
	v47 =	vld.idx.msk [tilespmem:v15+s18+$0x0], $0xffff  }
0x24b: {  	v9 =	vadd.s32 $0x80, v9;
	[tilespmem:s3+$0x150] =	vst v13;
	v10 =	vld.idx.msk [tilespmem:v10+s18+$0x0], $0xffff  }
0x24c: {  	v15 =	vadd.s32 $0x80, v15;
	v8 =	vld.idx.msk [tilespmem:v8+s18+$0x0], $0xffff  }
0x24d: {  	v13 =	vld.idx.msk [tilespmem:v12+s18+$0x0], $0xffff;
	[tilespmem:s21+$0xFFFFFE10] =	vst v48  }
0x24e: {  	v49 =	vld.idx.msk [tilespmem:v44+s18+$0x0], $0xffff;
	[tilespmem:s21+$0x10] =	vst v21  }
0x24f: {  	v11 =	vadd.s32 $0x80, v11;
	[tilespmem:s21+$0xFFFFFF10] =	vst v47;
	v14 =	vld.idx.msk [tilespmem:v14+s18+$0x0], $0xffff  }
0x250: {  	v16 =	vadd.s32 $0x80, v44;
	v9 =	vld.idx.msk [tilespmem:v9+s18+$0x0], $0xffff;
	[tilespmem:s21+$0x190] =	vst v10  }
0x251: {  	[tilespmem:s3+$0x1D0] =	vst v8;
	v8 =	vadd.s32 $0x80, v12;
	v15 =	vld.idx.msk [tilespmem:v15+s18+$0x0], $0xffff  }
0x252: {  	v10 =	vld [tilespmem:s20+$0xA0]  }
0x253: {  	[tilespmem:s3+$0xFFFFFE50] =	vst v45;
	v12 =	vld [tilespmem:s17+$0xE0]  }
0x254: {  	v11 =	vld.idx.msk [tilespmem:v11+s18+$0x0], $0xffff;
	[tilespmem:s3+$0x50] =	vst v49  }
0x255: {  	[tilespmem:s3+$0xFFFFFF50] =	vst v13;
	v13 =	vld.idx.msk [tilespmem:v16+s18+$0x0], $0xffff  }
0x256: {  	[tilespmem:s21+$0xFFFFFE90] =	vst v14;
	v8 =	vld.idx.msk [tilespmem:v8+s18+$0x0], $0xffff  }
0x257: {  	[tilespmem:s21+$0xFFFFFF90] =	vst v15;
	v50 =	vld [tilespmem:s20+$0xFFFFFF20]  }
0x258: {  	[tilespmem:s21+$0x90] =	vst v9;
	v14 =	vld [tilespmem:s20+$0xFFFFFFA0]  }
0x259: {  	[tilespmem:s3+$0xFFFFFED0] =	vst v11;
	v11 =	vld [tilespmem:s20+$0x20]  }
0x25a: {  	v51 =	vld.idx.msk [tilespmem:v10+s18+$0x0], $0xffff  }
0x25b: {  	v15 =	vld.idx.msk [tilespmem:v12+s18+$0x0], $0xffff  }
0x25c: {  	[tilespmem:s3+$0xFFFFFFD0] =	vst v8;
	v8 =	vld [tilespmem:s17+$0xFFFFFF60]  }
0x25d: {  	[tilespmem:s3+$0xD0] =	vst v13;
	v9 =	vadd.s32 $0x80, v12;
	v10 =	vadd.s32 $0x80, v10;
	v12 =	vld [tilespmem:s17+$0xFFFFFFE0]  }
0x25e: {  	v13 =	vld [tilespmem:s17+$0x60]  }
0x25f: {  	v52 =	vld.idx.msk [tilespmem:v50+s18+$0x0], $0xffff  }
0x260: {  	[tilespmem:s3+$0x160] =	vst v15;
	v15 =	vld.idx.msk [tilespmem:v14+s18+$0x0], $0xffff  }
0x261: {  	v16 =	vadd.s32 $0x80, v50;
	v53 =	vld.idx.msk [tilespmem:v11+s18+$0x0], $0xffff;
	[tilespmem:s21+$0x120] =	vst v51  }
0x262: {  	v11 =	vadd.s32 $0x80, v11;
	v10 =	vld.idx.msk [tilespmem:v10+s18+$0x0], $0xffff  }
0x263: {  	v14 =	vadd.s32 $0x80, v14;
	v9 =	vld.idx.msk [tilespmem:v9+s18+$0x0], $0xffff  }
0x264: {  	v54 =	vld.idx.msk [tilespmem:v8+s18+$0x0], $0xffff;
	[tilespmem:s21+$0xFFFFFE20] =	vst v52  }
0x265: {  	[tilespmem:s21+$0xFFFFFF20] =	vst v15;
	v15 =	vld.idx.msk [tilespmem:v12+s18+$0x0], $0xffff  }
0x266: {  	[tilespmem:s21+$0x20] =	vst v53;
	v16 =	vld.idx.msk [tilespmem:v16+s18+$0x0], $0xffff  }
0x267: {  	v8 =	vadd.s32 $0x80, v8;
	v11 =	vld.idx.msk [tilespmem:v11+s18+$0x0], $0xffff  }
0x268: {  	[tilespmem:s21+$0x1A0] =	vst v10;
	v14 =	vld.idx.msk [tilespmem:v14+s18+$0x0], $0xffff  }
0x269: {  	v10 =	vadd.s32 $0x80, v12;
	[tilespmem:s3+$0x1E0] =	vst v9;
	v12 =	vld [tilespmem:s20+$0xB0]  }
0x26a: {  	v9 =	vld [tilespmem:s17+$0xF0]  }
0x26b: {  	v55 =	vld.idx.msk [tilespmem:v13+s18+$0x0], $0xffff;
	[tilespmem:s3+$0xFFFFFE60] =	vst v54  }
0x26c: {  	v8 =	vld.idx.msk [tilespmem:v8+s18+$0x0], $0xffff;
	[tilespmem:s21+$0xFFFFFEA0] =	vst v16  }
0x26d: {  	[tilespmem:s21+$0xA0] =	vst v11;
	v16 =	vld [tilespmem:s20+$0xFFFFFF30]  }
0x26e: {  	v13 =	vadd.s32 $0x80, v13;
	[tilespmem:s21+$0xFFFFFFA0] =	vst v14;
	v11 =	vld [tilespmem:s20+$0x30]  }
0x26f: {  	[tilespmem:s3+$0xFFFFFF60] =	vst v15;
	v14 =	vld [tilespmem:s20+$0xFFFFFFB0]  }
0x270: {  	v10 =	vld.idx.msk [tilespmem:v10+s18+$0x0], $0xffff  }
0x271: {  	v56 =	vld.idx.msk [tilespmem:v12+s18+$0x0], $0xffff  }
0x272: {  	[tilespmem:s3+$0x60] =	vst v55;
	v15 =	vld.idx.msk [tilespmem:v9+s18+$0x0], $0xffff  }
0x273: {  	[tilespmem:s3+$0xFFFFFEE0] =	vst v8;
	v8 =	vld.idx.msk [tilespmem:v13+s18+$0x0], $0xffff  }
0x274: {  	v12 =	vadd.s32 $0x80, v12;
	v13 =	vld [tilespmem:s17+$0xFFFFFF70]  }
0x275: {  	v58 =	vld.idx.msk [tilespmem:v16+s18+$0x0], $0xffff  }
0x276: {  	v9 =	vadd.s32 $0x80, v9;
	[tilespmem:s3+$0xFFFFFFE0] =	vst v10;
	v10 =	vld.idx.msk [tilespmem:v11+s18+$0x0], $0xffff  }
0x277: {  	[tilespmem:s21+$0x130] =	vst v56;
	v57 =	vld.idx.msk [tilespmem:v14+s18+$0x0], $0xffff  }
0x278: {  	v14 =	vadd.s32 $0x80, v14;
	[tilespmem:s3+$0xE0] =	vst v8;
	v8 =	vld [tilespmem:s17+$0xFFFFFFF0]  }
0x279: {  	[tilespmem:s3+$0x170] =	vst v15;
	v15 =	vadd.s32 $0x80, v16;
	v12 =	vld.idx.msk [tilespmem:v12+s18+$0x0], $0xffff  }
0x27a: {  	v11 =	vadd.s32 $0x80, v11;
	v59 =	vld [tilespmem:s17+$0x70]  }
0x27b: {  	v9 =	vld.idx.msk [tilespmem:v9+s18+$0x0], $0xffff  }
0x27c: {  	v60 =	vld.idx.msk [tilespmem:v13+s18+$0x0], $0xffff;
	[tilespmem:s21+$0xFFFFFF30] =	vst v57  }
0x27d: {  	[tilespmem:s21+$0xFFFFFE30] =	vst v58;
	v14 =	vld.idx.msk [tilespmem:v14+s18+$0x0], $0xffff  }
0x27e: {  	[tilespmem:s21+$0x30] =	vst v10;
	v15 =	vld.idx.msk [tilespmem:v15+s18+$0x0], $0xffff  }
0x27f: {  	v10 =	vld.idx.msk [tilespmem:v11+s18+$0x0], $0xffff;
	[tilespmem:s21+$0x1B0] =	vst v12  }
0x280: {  	v61 =	vadd.s32 $0x80, v13;
	v13 =	vld [tilespmem:s20+$0xC0]  }
0x281: {  	[tilespmem:s3+$0x1F0] =	vst v9;
	v9 =	vld.idx.msk [tilespmem:v8+s18+$0x0], $0xffff  }
0x282: {  	v63 =	vadd.s32 $0x80, v8;
	v62 =	vld.idx.msk [tilespmem:v59+s18+$0x0], $0xffff;
	[tilespmem:s21+$0xFFFFFFB0] =	vst v14  }
0x283: {  	[tilespmem:s21+$0xFFFFFEB0] =	vst v15;
	v11 =	vld [tilespmem:s20+$0xFFFFFFC0]  }
0x284: {  	[tilespmem:s21+$0xB0] =	vst v10;
	v14 =	vld [tilespmem:s20+$0xFFFFFF40]  }
0x285: {  	[tilespmem:s3+$0xFFFFFE70] =	vst v60;
	v12 =	vld [tilespmem:s20+$0x40]  }
0x286: {  	v10 =	vld.idx.msk [tilespmem:v61+s18+$0x0], $0xffff;
	[tilespmem:s3+$0xFFFFFF70] =	vst v9  }
0x287: {  	s4 =	simm.s32 $0x4;
	s8 =	simm.s32 $0x500;
	s17 =	simm.s32 $0x1B200;
	v8 =	vadd.s32 $0x80, v59;
	v9 =	vld.idx.msk [tilespmem:v63+s18+$0x0], $0xffff;
	[tilespmem:s3+$0x70] =	vst v62  }
.LBB2_9:
0x288: {  	v15 =	vld [tilespmem:s8+$0x80];
	v16 =	vadd.s32 $0x80, v11  }
0x289: {  	v17 =	vld [tilespmem:s8+$0xFFFFFF80];
	v18 =	vadd.s32 $0x80, v14  }
0x28a: {  	s4 =	sadd.s32 $0x4, s4;
	v19 =	vadd.s32 $0x80, v12;
	v20 =	vld.idx.msk [tilespmem:v13+s18+$0x0], $0xffff  }
0x28b: {  	p1 =	slt.u32 s4, $0x2C;
	v21 =	vld [tilespmem:s8+$0x0]  }
0x28c: {  	v13 =	vadd.s32 $0x80, v13;
	v22 =	vld [tilespmem:s8+$0xFFFFFF00];
	[tilespmem:s3+$0xFFFFFEF0] =	vst v10  }
0x28d: {  	v10 =	vld.idx.msk [tilespmem:v14+s18+$0x0], $0xffff;
	[tilespmem:s3+$0xFFFFFFF0] =	vst v9  }
0x28e: {  	v9 =	vadd.s32 $0x80, v17;
	v11 =	vld.idx.msk [tilespmem:v11+s18+$0x0], $0xffff  }
0x28f: {  	v12 =	vld.idx.msk [tilespmem:v12+s18+$0x0], $0xffff  }
0x290: {  	v14 =	vadd.s32 $0x80, v21;
	v23 =	vld.idx.msk [tilespmem:v15+s18+$0x0], $0xffff;
	[tilespmem:s21+$0x140] =	vst v20  }
0x291: {  	v20 =	vadd.s32 $0x80, v22;
	v13 =	vld.idx.msk [tilespmem:v13+s18+$0x0], $0xffff  }
0x292: {  	v15 =	vadd.s32 $0x80, v15;
	v17 =	vld.idx.msk [tilespmem:v17+s18+$0x0], $0xffff  }
0x293: {  	v21 =	vld.idx.msk [tilespmem:v21+s18+$0x0], $0xffff;
	[tilespmem:s21+$0xFFFFFE40] =	vst v10  }
0x294: {  	v10 =	vld.idx.msk [tilespmem:v22+s18+$0x0], $0xffff;
	[tilespmem:s21+$0xFFFFFF40] =	vst v11  }
0x295: {  	s21 =	sadd.s32 $0x400, s21;
	v11 =	vld.idx.msk [tilespmem:v18+s18+$0x0], $0xffff;
	[tilespmem:s17+$0x40] =	vst v12  }
0x296: {  	[tilespmem:s21+$0x100] =	vst v23;
	v12 =	vld.idx.msk [tilespmem:v16+s18+$0x0], $0xffff  }
0x297: {  	v15 =	vld.idx.msk [tilespmem:v15+s18+$0x0], $0xffff;
	[tilespmem:s17+$0x1C0] =	vst v13  }
0x298: {  	[tilespmem:s21+$0xFFFFFF00] =	vst v17;
	v13 =	vld [tilespmem:s20+$0xD0]  }
0x299: {  	v9 =	vld.idx.msk [tilespmem:v9+s18+$0x0], $0xffff;
	[tilespmem:s21+$0x0] =	vst v21  }
0x29a: {  	[tilespmem:s21+$0xFFFFFE00] =	vst v10;
	v10 =	vld.idx.msk [tilespmem:v14+s18+$0x0], $0xffff  }
0x29b: {  	v14 =	vld.idx.msk [tilespmem:v20+s18+$0x0], $0xffff;
	[tilespmem:s17+$0xFFFFFEC0] =	vst v11  }
0x29c: {  	[tilespmem:s17+$0xFFFFFFC0] =	vst v12;
	v11 =	vld.idx.msk [tilespmem:v19+s18+$0x0], $0xffff  }
0x29d: {  	[tilespmem:s21+$0x180] =	vst v15;
	v12 =	vld [tilespmem:s20+$0xFFFFFF50]  }
0x29e: {  	v15 =	vld [tilespmem:s8+$0x90]  }
0x29f: {  	[tilespmem:s21+$0xFFFFFF80] =	vst v9;
	v9 =	vld [tilespmem:s20+$0xFFFFFFD0]  }
0x2a0: {  	[tilespmem:s21+$0x80] =	vst v10;
	v10 =	vld.idx.msk [tilespmem:v13+s18+$0x0], $0xffff  }
0x2a1: {  	[tilespmem:s21+$0xFFFFFE80] =	vst v14;
	v14 =	vld [tilespmem:s8+$0xFFFFFF90]  }
0x2a2: {  	v16 =	vld [tilespmem:s8+$0xFFFFFF10];
	v17 =	vadd.s32 $0x80, v12;
	[tilespmem:s17+$0xC0] =	vst v11;
	v11 =	vadd.s32 $0x80, v13  }
0x2a3: {  	v13 =	vld [tilespmem:s8+$0x10]  }
0x2a4: {  	v18 =	vadd.s32 $0x80, v9;
	v19 =	vld [tilespmem:s20+$0x50]  }
0x2a5: {  	v12 =	vld.idx.msk [tilespmem:v12+s18+$0x0], $0xffff  }
0x2a6: {  	v20 =	vadd.s32 $0x80, v14;
	v21 =	vld.idx.msk [tilespmem:v15+s18+$0x0], $0xffff;
	[tilespmem:s17+$0x150] =	vst v10  }
0x2a7: {  	v10 =	vadd.s32 $0x80, v16;
	v11 =	vld.idx.msk [tilespmem:v11+s18+$0x0], $0xffff  }
0x2a8: {  	v15 =	vadd.s32 $0x80, v15;
	v22 =	vadd.s32 $0x80, v13;
	v9 =	vld.idx.msk [tilespmem:v9+s18+$0x0], $0xffff  }
0x2a9: {  	v14 =	vld.idx.msk [tilespmem:v14+s18+$0x0], $0xffff;
	v23 =	vadd.s32 $0x80, v19  }
0x2aa: {  	v16 =	vld.idx.msk [tilespmem:v16+s18+$0x0], $0xffff  }
0x2ab: {  	v13 =	vld.idx.msk [tilespmem:v13+s18+$0x0], $0xffff;
	[tilespmem:s17+$0xFFFFFE50] =	vst v12  }
0x2ac: {  	[tilespmem:s21+$0x110] =	vst v21;
	v12 =	vld.idx.msk [tilespmem:v19+s18+$0x0], $0xffff  }
0x2ad: {  	v15 =	vld.idx.msk [tilespmem:v15+s18+$0x0], $0xffff;
	[tilespmem:s17+$0x1D0] =	vst v11  }
0x2ae: {  	[tilespmem:s17+$0xFFFFFF50] =	vst v9;
	v9 =	vld [tilespmem:s20+$0xE0]  }
0x2af: {  	[tilespmem:s21+$0xFFFFFF10] =	vst v14;
	v11 =	vld.idx.msk [tilespmem:v17+s18+$0x0], $0xffff  }
0x2b0: {  	[tilespmem:s21+$0xFFFFFE10] =	vst v16;
	v14 =	vld.idx.msk [tilespmem:v20+s18+$0x0], $0xffff  }
0x2b1: {  	v10 =	vld.idx.msk [tilespmem:v10+s18+$0x0], $0xffff;
	[tilespmem:s21+$0x10] =	vst v13  }
0x2b2: {  	v13 =	vld.idx.msk [tilespmem:v22+s18+$0x0], $0xffff;
	[tilespmem:s17+$0x50] =	vst v12  }
0x2b3: {  	[tilespmem:s21+$0x190] =	vst v15;
	v12 =	vld.idx.msk [tilespmem:v18+s18+$0x0], $0xffff  }
0x2b4: {  	v15 =	vld [tilespmem:s8+$0xA0]  }
0x2b5: {  	[tilespmem:s17+$0xFFFFFED0] =	vst v11;
	v11 =	vld.idx.msk [tilespmem:v23+s18+$0x0], $0xffff  }
0x2b6: {  	[tilespmem:s21+$0xFFFFFF90] =	vst v14;
	v14 =	vld.idx.msk [tilespmem:v9+s18+$0x0], $0xffff  }
0x2b7: {  	[tilespmem:s21+$0xFFFFFE90] =	vst v10;
	v10 =	vld [tilespmem:s8+$0xFFFFFFA0]  }
0x2b8: {  	v9 =	vadd.s32 $0x80, v9;
	v16 =	vld [tilespmem:s8+$0xFFFFFF20];
	[tilespmem:s21+$0x90] =	vst v13  }
0x2b9: {  	v13 =	vld [tilespmem:s8+$0x20];
	[tilespmem:s17+$0xFFFFFFD0] =	vst v12  }
0x2ba: {  	v12 =	vld [tilespmem:s20+$0xFFFFFF60]  }
0x2bb: {  	v17 =	vld [tilespmem:s20+$0xFFFFFFE0];
	[tilespmem:s17+$0xD0] =	vst v11  }
0x2bc: {  	v11 =	vadd.s32 $0x80, v10;
	v18 =	vld.idx.msk [tilespmem:v15+s18+$0x0], $0xffff;
	[tilespmem:s17+$0x160] =	vst v14  }
0x2bd: {  	v14 =	vadd.s32 $0x80, v16;
	v9 =	vld.idx.msk [tilespmem:v9+s18+$0x0], $0xffff  }
0x2be: {  	v15 =	vadd.s32 $0x80, v15;
	v19 =	vadd.s32 $0x80, v13;
	v20 =	vld [tilespmem:s20+$0x60]  }
0x2bf: {  	v10 =	vld.idx.msk [tilespmem:v10+s18+$0x0], $0xffff;
	v21 =	vadd.s32 $0x80, v12  }
0x2c0: {  	v16 =	vld.idx.msk [tilespmem:v16+s18+$0x0], $0xffff;
	v22 =	vadd.s32 $0x80, v17  }
0x2c1: {  	v13 =	vld.idx.msk [tilespmem:v13+s18+$0x0], $0xffff  }
0x2c2: {  	[tilespmem:s21+$0x120] =	vst v18;
	v12 =	vld.idx.msk [tilespmem:v12+s18+$0x0], $0xffff  }
0x2c3: {  	v15 =	vld.idx.msk [tilespmem:v15+s18+$0x0], $0xffff;
	v18 =	vadd.s32 $0x80, v20;
	[tilespmem:s17+$0x1E0] =	vst v9  }
0x2c4: {  	v9 =	vld [tilespmem:s20+$0xF0]  }
0x2c5: {  	[tilespmem:s21+$0xFFFFFF20] =	vst v10;
	v10 =	vld.idx.msk [tilespmem:v17+s18+$0x0], $0xffff  }
0x2c6: {  	[tilespmem:s21+$0xFFFFFE20] =	vst v16;
	v11 =	vld.idx.msk [tilespmem:v11+s18+$0x0], $0xffff  }
0x2c7: {  	v14 =	vld.idx.msk [tilespmem:v14+s18+$0x0], $0xffff;
	[tilespmem:s21+$0x20] =	vst v13  }
0x2c8: {  	v13 =	vld.idx.msk [tilespmem:v19+s18+$0x0], $0xffff;
	[tilespmem:s17+$0xFFFFFE60] =	vst v12  }
0x2c9: {  	v12 =	vld.idx.msk [tilespmem:v20+s18+$0x0], $0xffff  }
0x2ca: {  	[tilespmem:s21+$0x1A0] =	vst v15;
	v15 =	vld.idx.msk [tilespmem:v21+s18+$0x0], $0xffff  }
0x2cb: {  	v16 =	vld [tilespmem:s8+$0xB0];
	[tilespmem:s17+$0xFFFFFF60] =	vst v10  }
0x2cc: {  	[tilespmem:s21+$0xFFFFFFA0] =	vst v11;
	v10 =	vld.idx.msk [tilespmem:v9+s18+$0x0], $0xffff  }
0x2cd: {  	[tilespmem:s21+$0xFFFFFEA0] =	vst v14;
	v11 =	vld [tilespmem:s8+$0xFFFFFFB0]  }
0x2ce: {  	v9 =	vadd.s32 $0x80, v9;
	v14 =	vld [tilespmem:s8+$0xFFFFFF30];
	[tilespmem:s21+$0xA0] =	vst v13  }
0x2cf: {  	v13 =	vld [tilespmem:s8+$0x30];
	[tilespmem:s17+$0x60] =	vst v12  }
0x2d0: {  	[tilespmem:s17+$0xFFFFFEE0] =	vst v15;
	v12 =	vld.idx.msk [tilespmem:v22+s18+$0x0], $0xffff  }
0x2d1: {  	v15 =	vld.idx.msk [tilespmem:v18+s18+$0x0], $0xffff  }
0x2d2: {  	v17 =	vadd.s32 $0x80, v11;
	v18 =	vld [tilespmem:s20+$0xFFFFFF70];
	[tilespmem:s17+$0x170] =	vst v10  }
0x2d3: {  	v10 =	vadd.s32 $0x80, v14;
	v9 =	vld.idx.msk [tilespmem:v9+s18+$0x0], $0xffff  }
0x2d4: {  	v19 =	vadd.s32 $0x80, v13;
	v20 =	vld.idx.msk [tilespmem:v16+s18+$0x0], $0xffff  }
0x2d5: {  	v11 =	vld.idx.msk [tilespmem:v11+s18+$0x0], $0xffff  }
0x2d6: {  	v16 =	vadd.s32 $0x80, v16;
	v14 =	vld.idx.msk [tilespmem:v14+s18+$0x0], $0xffff;
	[tilespmem:s17+$0xFFFFFFE0] =	vst v12  }
0x2d7: {  	v12 =	vld.idx.msk [tilespmem:v13+s18+$0x0], $0xffff;
	v21 =	vadd.s32 $0x80, v18;
	[tilespmem:s17+$0xE0] =	vst v15  }
0x2d8: {  	v13 =	vld [tilespmem:s20+$0xFFFFFFF0]  }
0x2d9: {  	v15 =	vld [tilespmem:s20+$0x70];
	[tilespmem:s17+$0x1F0] =	vst v9;
	s20 =	smov.u32 s8  }
0x2da: {  	[tilespmem:s21+$0x130] =	vst v20;
	v9 =	vld.idx.msk [tilespmem:v18+s18+$0x0], $0xffff  }
0x2db: {  	[tilespmem:s21+$0xFFFFFF30] =	vst v11;
	v11 =	vld.idx.msk [tilespmem:v16+s18+$0x0], $0xffff  }
0x2dc: {  	[tilespmem:s21+$0xFFFFFE30] =	vst v14;
	v14 =	vld.idx.msk [tilespmem:v17+s18+$0x0], $0xffff  }
0x2dd: {  	v10 =	vld.idx.msk [tilespmem:v10+s18+$0x0], $0xffff;
	[tilespmem:s21+$0x30] =	vst v12;
	v16 =	vadd.s32 $0x80, v13  }
0x2de: {  	v12 =	vld.idx.msk [tilespmem:v19+s18+$0x0], $0xffff;
	v17 =	vadd.s32 $0x80, v15  }
0x2df: {  	v18 =	vld.idx.msk [tilespmem:v8+s18+$0x0], $0xffff;
	v8 =	vmov v17  }
0x2e0: {  	[tilespmem:s17+$0xFFFFFE70] =	vst v9;
	v9 =	vld.idx.msk [tilespmem:v13+s18+$0x0], $0xffff  }
0x2e1: {  	[tilespmem:s21+$0x1B0] =	vst v11;
	v15 =	vld.idx.msk [tilespmem:v15+s18+$0x0], $0xffff  }
0x2e2: {  	[tilespmem:s21+$0xFFFFFFB0] =	vst v14;
	v13 =	vld [tilespmem:s8+$0xC0]  }
.Ltmp5:
0x2e3: {  	[tilespmem:s21+$0xFFFFFEB0] =	vst v10;
	v11 =	vld [tilespmem:s8+$0xFFFFFFC0];
	(pc) =	sbr.rel @p1 .LBB2_9-.Ltmp5, $4  }
0x2e4: {  	v14 =	vld [tilespmem:s8+$0xFFFFFF40];
	[tilespmem:s21+$0xB0] =	vst v12  }
0x2e5: {  	v12 =	vld [tilespmem:s8+$0x40];
	[tilespmem:s3+$0xF0] =	vst v18;
	s3 =	smov.u32 s17;
	s17 =	smov.u32 s21  }
0x2e6: {  	v10 =	vld.idx.msk [tilespmem:v21+s18+$0x0], $0xffff;
	[tilespmem:s3+$0xFFFFFF70] =	vst v9  }
0x2e7: {  	s8 =	sadd.s32 $0x200, s8;
	v9 =	vld.idx.msk [tilespmem:v16+s18+$0x0], $0xffff;
	[tilespmem:s3+$0x70] =	vst v15  }
0x2e8: {  	_ =	sdelay $0x3  }
0x2e9: {  	v15 =	vld.idx.msk [tilespmem:v13+s18+$0x0], $0xffff  }
0x2ea: {  	v54 =	vadd.s32 $0x80, v13;
	v17 =	vld.idx.msk [tilespmem:v11+s18+$0x0], $0xffff  }
0x2eb: {  	v56 =	vadd.s32 $0x80, v11;
	v16 =	vld.idx.msk [tilespmem:v14+s18+$0x0], $0xffff  }
0x2ec: {  	v55 =	vadd.s32 $0x80, v14;
	v18 =	vld.idx.msk [tilespmem:v12+s18+$0x0], $0xffff  }
0x2ed: {  	v57 =	vadd.s32 $0x80, v12  }
0x2ee: {  	[tilespmem:s21+$0x140] =	vst v15  }
0x2ef: {  	[tilespmem:s21+$0xFFFFFF40] =	vst v17;
	v13 =	vld.idx.msk [tilespmem:v54+s18+$0x0], $0xffff  }
0x2f0: {  	[tilespmem:s21+$0xFFFFFE40] =	vst v16;
	v11 =	vld.idx.msk [tilespmem:v56+s18+$0x0], $0xffff  }
0x2f1: {  	v14 =	vld.idx.msk [tilespmem:v55+s18+$0x0], $0xffff;
	[tilespmem:s17+$0x40] =	vst v18  }
0x2f2: {  	v12 =	vld.idx.msk [tilespmem:v57+s18+$0x0], $0xffff;
	_ =	sdelay $0x1  }
0x2f3: {  	[tilespmem:s17+$0x1C0] =	vst v13  }
0x2f4: {  	[tilespmem:s17+$0xFFFFFFC0] =	vst v11;
	v13 =	vld [tilespmem:s20+$0xD0]  }
0x2f5: {  	[tilespmem:s17+$0xFFFFFEC0] =	vst v14;
	v59 =	vld [tilespmem:s20+$0xFFFFFFD0]  }
0x2f6: {  	v58 =	vld [tilespmem:s20+$0xFFFFFF50];
	[tilespmem:s17+$0xC0] =	vst v12  }
0x2f7: {  	v12 =	vld [tilespmem:s20+$0x50];
	_ =	sdelay $0x4  }
0x2f8: {  	v15 =	vld.idx.msk [tilespmem:v13+s18+$0x0], $0xffff  }
0x2f9: {  	v13 =	vadd.s32 $0x80, v13;
	v17 =	vld.idx.msk [tilespmem:v59+s18+$0x0], $0xffff  }
0x2fa: {  	v14 =	vadd.s32 $0x80, v59;
	v16 =	vld.idx.msk [tilespmem:v58+s18+$0x0], $0xffff  }
0x2fb: {  	v11 =	vadd.s32 $0x80, v58;
	v18 =	vld.idx.msk [tilespmem:v12+s18+$0x0], $0xffff  }
0x2fc: {  	v12 =	vadd.s32 $0x80, v12  }
0x2fd: {  	[tilespmem:s17+$0x150] =	vst v15  }
0x2fe: {  	[tilespmem:s17+$0xFFFFFF50] =	vst v17;
	v13 =	vld.idx.msk [tilespmem:v13+s18+$0x0], $0xffff  }
0x2ff: {  	[tilespmem:s17+$0xFFFFFE50] =	vst v16;
	v14 =	vld.idx.msk [tilespmem:v14+s18+$0x0], $0xffff  }
0x300: {  	v11 =	vld.idx.msk [tilespmem:v11+s18+$0x0], $0xffff;
	[tilespmem:s17+$0x50] =	vst v18  }
0x301: {  	v12 =	vld.idx.msk [tilespmem:v12+s18+$0x0], $0xffff;
	_ =	sdelay $0x1  }
0x302: {  	[tilespmem:s17+$0x1D0] =	vst v13  }
0x303: {  	[tilespmem:s17+$0xFFFFFFD0] =	vst v14;
	v13 =	vld [tilespmem:s20+$0xE0]  }
0x304: {  	[tilespmem:s17+$0xFFFFFED0] =	vst v11;
	v14 =	vld [tilespmem:s20+$0xFFFFFFE0]  }
0x305: {  	v11 =	vld [tilespmem:s20+$0xFFFFFF60];
	[tilespmem:s17+$0xD0] =	vst v12  }
0x306: {  	v12 =	vld [tilespmem:s20+$0x60];
	_ =	sdelay $0x4  }
0x307: {  	v15 =	vld.idx.msk [tilespmem:v13+s18+$0x0], $0xffff  }
0x308: {  	v13 =	vadd.s32 $0x80, v13;
	v17 =	vld.idx.msk [tilespmem:v14+s18+$0x0], $0xffff  }
0x309: {  	v14 =	vadd.s32 $0x80, v14;
	v16 =	vld.idx.msk [tilespmem:v11+s18+$0x0], $0xffff  }
0x30a: {  	v11 =	vadd.s32 $0x80, v11;
	v18 =	vld.idx.msk [tilespmem:v12+s18+$0x0], $0xffff  }
0x30b: {  	v12 =	vadd.s32 $0x80, v12  }
0x30c: {  	[tilespmem:s17+$0x160] =	vst v15  }
0x30d: {  	[tilespmem:s17+$0xFFFFFF60] =	vst v17;
	v13 =	vld.idx.msk [tilespmem:v13+s18+$0x0], $0xffff  }
0x30e: {  	[tilespmem:s17+$0xFFFFFE60] =	vst v16;
	v14 =	vld.idx.msk [tilespmem:v14+s18+$0x0], $0xffff  }
0x30f: {  	v11 =	vld.idx.msk [tilespmem:v11+s18+$0x0], $0xffff;
	[tilespmem:s17+$0x60] =	vst v18  }
0x310: {  	v12 =	vld.idx.msk [tilespmem:v12+s18+$0x0], $0xffff;
	_ =	sdelay $0x1  }
0x311: {  	[tilespmem:s17+$0x1E0] =	vst v13  }
0x312: {  	[tilespmem:s17+$0xFFFFFFE0] =	vst v14;
	v13 =	vld [tilespmem:s20+$0xF0]  }
0x313: {  	[tilespmem:s17+$0xFFFFFEE0] =	vst v11;
	v60 =	vld [tilespmem:s20+$0xFFFFFFF0]  }
0x314: {  	v11 =	vld [tilespmem:s20+$0xFFFFFF70];
	[tilespmem:s17+$0xE0] =	vst v12  }
0x315: {  	v61 =	vld [tilespmem:s20+$0x70];
	_ =	sdelay $0x4  }
0x316: {  	v15 =	vld.idx.msk [tilespmem:v13+s18+$0x0], $0xffff  }
0x317: {  	v13 =	vadd.s32 $0x80, v13;
	v17 =	vld.idx.msk [tilespmem:v60+s18+$0x0], $0xffff  }
0x318: {  	v12 =	vadd.s32 $0x80, v60;
	v16 =	vld.idx.msk [tilespmem:v11+s18+$0x0], $0xffff  }
0x319: {  	v11 =	vadd.s32 $0x80, v11;
	v18 =	vld.idx.msk [tilespmem:v61+s18+$0x0], $0xffff  }
0x31a: {  	[tilespmem:s3+$0xFFFFFEF0] =	vst v10;
	v14 =	vadd.s32 $0x80, v61  }
0x31b: {  	v8 =	vld.idx.msk [tilespmem:v8+s18+$0x0], $0xffff;
	[tilespmem:s17+$0x170] =	vst v15  }
0x31c: {  	[tilespmem:s17+$0xFFFFFF70] =	vst v17;
	v62 =	vld.idx.msk [tilespmem:v13+s18+$0x0], $0xffff  }
0x31d: {  	[tilespmem:s17+$0xFFFFFE70] =	vst v16;
	v12 =	vld.idx.msk [tilespmem:v12+s18+$0x0], $0xffff  }
0x31e: {  	v11 =	vld.idx.msk [tilespmem:v11+s18+$0x0], $0xffff;
	[tilespmem:s17+$0x70] =	vst v18  }
0x31f: {  	[tilespmem:s3+$0xFFFFFFF0] =	vst v9;
	v63 =	vld.idx.msk [tilespmem:v14+s18+$0x0], $0xffff  }
0x320: {  	[tilespmem:s3+$0xF0] =	vst v8  }
0x321: {  	[tilespmem:s17+$0x1F0] =	vst v62  }
0x322: {  	[tilespmem:s17+$0xFFFFFFF0] =	vst v12  }
0x323: {  	[tilespmem:s17+$0xFFFFFEF0] =	vst v11  }
0x324: {  	s4 =	simm.s32 $0x1DCF0;
	s3 =	simm.s32 $0x0;
	[tilespmem:s17+$0xF0] =	vst v63  }
.LBB2_11:
0x325: {  	s8 =	sshra.s32 s3, $0x2  }
0x326: {  	v8 =	vld [tilespmem:s8+$0x1800];
	_ =	sdelay $0x7  }
0x327: {  	v9 =	vld.idx.msk [tilespmem:v8+s18+$0x0], $0xffff  }
0x328: {  	v8 =	vadd.s32 $0x80, v8;
	_ =	sdelay $0x3  }
0x329: {  	[tilespmem:s4+$0xFFFFFF10] =	vst v9  }
0x32a: {  	v8 =	vld.idx.msk [tilespmem:v8+s18+$0x0], $0xffff;
	_ =	sdelay $0x4  }
0x32b: {  	[tilespmem:s4+$0xFFFFFF90] =	vst v8  }
0x32c: {  	v8 =	vld [tilespmem:s8+$0x1810];
	_ =	sdelay $0x7  }
0x32d: {  	v9 =	vld.idx.msk [tilespmem:v8+s18+$0x0], $0xffff  }
0x32e: {  	v8 =	vadd.s32 $0x80, v8;
	_ =	sdelay $0x3  }
0x32f: {  	[tilespmem:s4+$0xFFFFFF20] =	vst v9  }
0x330: {  	v8 =	vld.idx.msk [tilespmem:v8+s18+$0x0], $0xffff;
	_ =	sdelay $0x4  }
0x331: {  	[tilespmem:s4+$0xFFFFFFA0] =	vst v8  }
0x332: {  	v8 =	vld [tilespmem:s8+$0x1820];
	_ =	sdelay $0x7  }
0x333: {  	v9 =	vld.idx.msk [tilespmem:v8+s18+$0x0], $0xffff  }
0x334: {  	v8 =	vadd.s32 $0x80, v8;
	_ =	sdelay $0x3  }
0x335: {  	[tilespmem:s4+$0xFFFFFF30] =	vst v9  }
0x336: {  	v8 =	vld.idx.msk [tilespmem:v8+s18+$0x0], $0xffff;
	_ =	sdelay $0x4  }
0x337: {  	[tilespmem:s4+$0xFFFFFFB0] =	vst v8  }
0x338: {  	v8 =	vld [tilespmem:s8+$0x1830];
	_ =	sdelay $0x7  }
0x339: {  	v9 =	vld.idx.msk [tilespmem:v8+s18+$0x0], $0xffff  }
0x33a: {  	v8 =	vadd.s32 $0x80, v8;
	_ =	sdelay $0x3  }
0x33b: {  	[tilespmem:s4+$0xFFFFFF40] =	vst v9  }
0x33c: {  	v8 =	vld.idx.msk [tilespmem:v8+s18+$0x0], $0xffff;
	_ =	sdelay $0x4  }
0x33d: {  	[tilespmem:s4+$0xFFFFFFC0] =	vst v8  }
0x33e: {  	v8 =	vld [tilespmem:s8+$0x1840];
	_ =	sdelay $0x7  }
0x33f: {  	v9 =	vld.idx.msk [tilespmem:v8+s18+$0x0], $0xffff  }
0x340: {  	v8 =	vadd.s32 $0x80, v8;
	_ =	sdelay $0x3  }
0x341: {  	[tilespmem:s4+$0xFFFFFF50] =	vst v9  }
0x342: {  	v8 =	vld.idx.msk [tilespmem:v8+s18+$0x0], $0xffff;
	_ =	sdelay $0x4  }
0x343: {  	[tilespmem:s4+$0xFFFFFFD0] =	vst v8  }
0x344: {  	v8 =	vld [tilespmem:s8+$0x1850];
	_ =	sdelay $0x7  }
0x345: {  	v9 =	vld.idx.msk [tilespmem:v8+s18+$0x0], $0xffff  }
0x346: {  	v8 =	vadd.s32 $0x80, v8;
	_ =	sdelay $0x3  }
0x347: {  	[tilespmem:s4+$0xFFFFFF60] =	vst v9  }
0x348: {  	v8 =	vld.idx.msk [tilespmem:v8+s18+$0x0], $0xffff;
	_ =	sdelay $0x4  }
0x349: {  	[tilespmem:s4+$0xFFFFFFE0] =	vst v8  }
0x34a: {  	v8 =	vld [tilespmem:s8+$0x1860];
	_ =	sdelay $0x7  }
0x34b: {  	v9 =	vld.idx.msk [tilespmem:v8+s18+$0x0], $0xffff  }
0x34c: {  	v8 =	vadd.s32 $0x80, v8;
	_ =	sdelay $0x3  }
0x34d: {  	[tilespmem:s4+$0xFFFFFF70] =	vst v9  }
0x34e: {  	v8 =	vld.idx.msk [tilespmem:v8+s18+$0x0], $0xffff;
	_ =	sdelay $0x4  }
0x34f: {  	[tilespmem:s4+$0xFFFFFFF0] =	vst v8  }
0x350: {  	v8 =	vld [tilespmem:s8+$0x1870];
	_ =	sdelay $0x7  }
0x351: {  	v9 =	vld.idx.msk [tilespmem:v8+s18+$0x0], $0xffff  }
0x352: {  	v8 =	vadd.s32 $0x80, v8;
	_ =	sdelay $0x3  }
0x353: {  	[tilespmem:s4+$0xFFFFFF80] =	vst v9  }
0x354: {  	p1 =	sne.s32 s3, $0x200;
	v8 =	vld.idx.msk [tilespmem:v8+s18+$0x0], $0xffff  }
.Ltmp6:
0x355: {  	_ = 	snop;
	(pc) =	sbr.rel @p1 .LBB2_11-.Ltmp6, $2  }
0x356: {  	_ =	sdelay $0x2  }
0x357: {  	s3 =	sadd.s32 $0x200, s3;
	[tilespmem:s4+$0x0] =	vst v8;
	s4 =	sadd.s32 $0x100, s4  }
0x358: {  	s3 =	sor.u32 s31, s5  }
.Ltmp7:
0x359: {  	s0 =	sor.u32 s0, s3;
	(pc) =	sbr.rel @p0 .LBB2_14-.Ltmp7, $4  }
0x35a: {  	s0 =	sshrl.u32 s0, $0x3  }
0x35b: {  	s0 =	sadd.s32 s0, s2  }
0x35c: {  	s0 =	sadd.s32 $0x20, s0  }
0x35d: {  	[hbm4b:s0+s14] =	stream.strided.scatter [tilespmem:s24], [sflag:$0x3], $0x3200, s15, s14, $0x38;
	[tilespmem:$0x1DE00] =	vst v63  }
0x35e: {  	s0 =	sadd.s32 $0x3, s30  }
0x35f: {  	s3 =	sshll.u32 s0, $0xD;
	s0 =	sshll.u32 s0, $0x8  }
0x360: {  	s3 =	sand.u32 $0x78000, s3;
	s0 =	sand.u32 $0x300, s0  }
0x361: {  	s0 =	sor.u32 s3, s0  }
0x362: {  	s0 =	sor.u32 s5, s0  }
.Ltmp8:
0x363: {  	s0 =	sshrl.u32 s0, $0x3;
	(pc) =	sbr.rel .LBB2_4-.Ltmp8, $4  }
0x364: {  	s31 =	sadd.s32 s1, s0  }
0x365: {  	[tilespmem:s18], [sflag:$0x2] =	stream.strided.gather [hbm4b:s31+s14], $0x6400, s15, s14, $0x38;
	[tilespmem:$0x1DE00] =	vst v63  }
0x366: {  	s29 =	sadd.s32 $0x1, s29;
	s0 =	sadd.s32 s0, s6  }
0x367: {  	[tilespmem:s19], [sflag:$0x2] =	stream.strided.gather [hbm4b:s0+s14], $0x6400, s15, s14, $0x38;
	[tilespmem:$0x1DE00] =	vst v63  }
.LBB2_15:
0x368: {  	_ =	sfence.sel $0x180000  }
0x369: {  	[bflag:$0x0] =	sbarrier.arrive $0xFFFF  }
0x36a: {  	_ =	strace $0x90000047  }
0x36b: {  	s0 =	stileid.u32;
	[bflag:$0x2] =	sbarrier.arrive $0xFFFF  }
0x36c: {  	p0 =	sne.s32 s0, $0x0;
	s0 =	rddreg [dreg:$0x3]  }
0x36d: {  	s0 =	sadd.s32 @!p0 $0x100000, s0  }
0x36e: {  	[sflag:s0] =	ssyncadd.tile.s32 @!p0 $0x1;
	_ =	shalt  }
.Lfunc_end2:
_tile_overlayer_lowered:
.L_overlay_start_2:
0x36f: {  	(tag) =	ssettag $0x2  }
0x370: {  	s0 =	rddreg [dreg:$0x0];
	s2 =	stileid.u32  }
0x371: {  	s1 =	rddreg [dreg:$0x1];
	p0 =	sne.s32 s2, $0x0  }
0x372: {  	s3 =	rddreg [dreg:$0x2];
	[bflag:$0x3] =	sbarrier.arrive $0xFFFF;
	s2 =	simm.s32 @!p0 $0x1C04  }
0x373: {  	[timem:s3], [sflag:s2] =	dma.local @!p0 [hbm:s0], s1  }
0x374: {  	s0 =	simm.s32 @!p0 $0x4  }
0x375: {  	_ =	swait.ge @!p0 [sflag:s0], s1  }
0x376: {  	s1 =	ssub.s32 @!p0 $0x0, s1;
	[sflag:s0] =	ssyncset.done @!p0 $0x0  }
0x377: {  	[sflag:s0] =	ssyncadd.s32 @!p0 s1  }
0x378: {  	[bflag:$0x3] =	sbarrier.arrive $0xFFFF  }
0x379: {  	_ =	shalt  }

</sc_bundles>
